<compile_context>
chip_gen: v7x
topology: tpu7x:2x2x1
jax: 0.10.2.dev20260603
libtpu: 0.0.44.dev20260713+nightly
codegen_flags: <defaults>
</compile_context>

<pallas_src>
import functools

import jax
import jax.numpy as jnp
from jax import lax
from jax.experimental import pallas as pl
from jax.experimental.pallas import tpu as pltpu
from jax.experimental.pallas import tpu_sc as plsc

_B = 1024
_RANK = 32
_N_ENT = 100000
_LANES = 16
_NC = 2
_NS = 16


def _sc_gather_call(entity_emb, rel_emb, heads, rels, tails):
    nw = _NC * _NS
    bpw = _B // nw
    mesh = plsc.VectorSubcoreMesh(core_axis_name="c", subcore_axis_name="s")

    @functools.partial(
        pl.kernel,
        mesh=mesh,
        out_type=(
            jax.ShapeDtypeStruct((_B, _RANK), jnp.float32),
            jax.ShapeDtypeStruct((_B, _RANK), jnp.float32),
        ),
        scratch_types=[
            pltpu.VMEM((bpw,), jnp.int32),
            pltpu.VMEM((bpw,), jnp.int32),
            pltpu.VMEM((bpw,), jnp.int32),
            pltpu.VMEM((bpw, _RANK), jnp.float32),
            pltpu.VMEM((bpw, _RANK), jnp.float32),
            pltpu.VMEM((bpw, _RANK), jnp.float32),
            pltpu.SemaphoreType.DMA,
            pltpu.SemaphoreType.DMA,
            pltpu.SemaphoreType.DMA,
        ],
        compiler_params=pltpu.CompilerParams(use_tc_tiling_on_sc=False),
    )
    def k(ent_hbm, rel_hbm, h_hbm, r_hbm, t_hbm, q_out, te_out,
          hv, rv, tv, lhs_v, rel_v, te_v, sem1, sem2, sem3):
        wid = lax.axis_index("s") * _NC + lax.axis_index("c")
        base = wid * bpw
        pltpu.sync_copy(h_hbm.at[pl.ds(base, bpw)], hv)
        pltpu.sync_copy(r_hbm.at[pl.ds(base, bpw)], rv)
        pltpu.sync_copy(t_hbm.at[pl.ds(base, bpw)], tv)
        c1 = pltpu.async_copy(ent_hbm.at[hv], lhs_v, sem1)
        c2 = pltpu.async_copy(rel_hbm.at[rv], rel_v, sem2)
        c3 = pltpu.async_copy(ent_hbm.at[tv], te_v, sem3)
        c1.wait()
        c2.wait()
        for i in range(bpw):
            for j in range(_RANK // _LANES):
                sl = pl.ds(j * _LANES, _LANES)
                lhs_v[i, sl] = lhs_v[i, sl] * rel_v[i, sl]
        pltpu.sync_copy(lhs_v, q_out.at[pl.ds(base, bpw)])
        c3.wait()
        pltpu.sync_copy(te_v, te_out.at[pl.ds(base, bpw)])

    return k(entity_emb, rel_emb, heads, rels, tails)


_TILE_B = 32


def _tc_body(q_ref, te_ref, tgt_ref, embt_ref, masked_ref, ranks_ref):
    ts = jnp.sum(q_ref[...] * te_ref[...], axis=1, keepdims=True)
    scores = jnp.dot(q_ref[...], embt_ref[...],
                     preferred_element_type=jnp.float32)
    cols = lax.broadcasted_iota(jnp.int32, (_TILE_B, _N_ENT), 1)
    masked = jnp.where(cols == tgt_ref[...], -1000000.0, scores)
    masked_ref[...] = masked
    ranks_ref[...] = 1.0 + jnp.sum(
        (masked >= ts).astype(jnp.float32), axis=1, keepdims=True)


def _tc_score_call(q, tgt_e, tgt, embt):
    return pl.pallas_call(
        _tc_body,
        grid=(_B // _TILE_B,),
        in_specs=[
            pl.BlockSpec((_TILE_B, _RANK), lambda i: (i, 0)),
            pl.BlockSpec((_TILE_B, _RANK), lambda i: (i, 0)),
            pl.BlockSpec((_TILE_B, 1), lambda i: (i, 0)),
            pl.BlockSpec((_RANK, _N_ENT), lambda i: (0, 0)),
        ],
        out_specs=[
            pl.BlockSpec((_TILE_B, _N_ENT), lambda i: (i, 0)),
            pl.BlockSpec((_TILE_B, 1), lambda i: (i, 0)),
        ],
        out_shape=[
            jax.ShapeDtypeStruct((_B, _N_ENT), jnp.float32),
            jax.ShapeDtypeStruct((_B, 1), jnp.float32),
        ],
        compiler_params=pltpu.CompilerParams(
            dimension_semantics=("parallel",),
            allow_input_fusion=(False, False, False, True)),
    )(q, tgt_e, tgt, embt)


def kernel(queries, entity_emb, rel_emb):
    heads = queries[:, 0].astype(jnp.int32)
    rels = queries[:, 1].astype(jnp.int32)
    tails = queries[:, 2].astype(jnp.int32)
    q, tgt_e = _sc_gather_call(entity_emb, rel_emb, heads, rels, tails)
    embt = entity_emb.T
    masked, ranks = _tc_score_call(q, tgt_e, tails[:, None], embt)
    return ranks.reshape(_B), masked

# --- scband reference (transcript-rebuilt; emitter-appended) ---
"""Pipeline reference for scband-kbcmodel-13829794693157 (READ-ONLY COPY).

The authoritative reference and input builder live on the scoring server;
editing this copy changes nothing except your own understanding.
"""

import jax, jax.numpy as jnp
import numpy as np

N_ENT = 100000
N_REL = 1000
RANK = 32
B = 1024


def setup_inputs(seed: int = 0) -> dict:
    key = jax.random.key(seed)
    k1, k2, k3, k4, k5 = jax.random.split(key, 5)
    heads = jax.random.randint(k1, (B,), 0, N_ENT)
    rels = jax.random.randint(k2, (B,), 0, N_REL)
    tails = jax.random.randint(k3, (B,), 0, N_ENT)
    queries = jnp.stack([heads, rels, tails], axis=1)
    entity_emb = jax.random.normal(k4, (N_ENT, RANK), dtype=jnp.float32) * 0.05
    rel_emb = jax.random.normal(k5, (N_REL, RANK), dtype=jnp.float32) * 0.05
    return {"queries": queries, "entity_emb": entity_emb, "rel_emb": rel_emb}


def reference(queries, entity_emb, rel_emb):
    # KBC forward: score every (head, rel) query against all candidate tail entities
    lhs = jnp.take(entity_emb, queries[:, 0], axis=0)          # [B, rank] gather
    rel = jnp.take(rel_emb, queries[:, 1], axis=0)             # [B, rank] gather
    scores = (lhs * rel) @ entity_emb.T                         # [B, N_ENT]
    # get_ranking core: gather the gold-target score per row
    tgt = queries[:, 2]
    targets = jnp.take_along_axis(scores, tgt[:, None], axis=1)  # [B, 1]
    # filter/mask: overwrite the target (filtered) positions with -1e6
    row_idx = jnp.arange(scores.shape[0])
    masked = scores.at[row_idx, tgt].set(-1000000.0)             # scatter-overwrite
    # rank = 1 + number of candidates scoring >= target
    ranks = 1.0 + jnp.sum((masked >= targets).astype(jnp.float32), axis=1)  # [B]
    return (ranks, masked)

if __name__ == "__main__":
    import jax
    _d = setup_inputs()
    print(jax.jit(kernel)(*tuple(_d.values())))

</pallas_src>

<mosaic_0001>
#map = affine_map<(d0, d1) -> (0, 0)>
#map1 = affine_map<(d0, d1) -> (0)>
module attributes {stable_mosaic.version = 14 : i64} {
  func.func @k(%arg0: i32, %arg1: i32, %arg2: memref<100000x32xf32, #tpu.memory_space<hbm>>, %arg3: memref<1000x32xf32, #tpu.memory_space<hbm>>, %arg4: memref<1024xi32, #tpu.memory_space<hbm>>, %arg5: memref<1024xi32, #tpu.memory_space<hbm>>, %arg6: memref<1024xi32, #tpu.memory_space<hbm>>, %arg7: memref<1024x32xf32, #tpu.memory_space<hbm>>, %arg8: memref<1024x32xf32, #tpu.memory_space<hbm>>, %arg9: memref<32xi32, #tpu.memory_space<vmem>>, %arg10: memref<32xi32, #tpu.memory_space<vmem>>, %arg11: memref<32xi32, #tpu.memory_space<vmem>>, %arg12: memref<32x32xf32, #tpu.memory_space<vmem>>, %arg13: memref<32x32xf32, #tpu.memory_space<vmem>>, %arg14: memref<32x32xf32, #tpu.memory_space<vmem>>, %arg15: memref<!tpu.dma_semaphore, #tpu.memory_space<semaphore_mem>>, %arg16: memref<!tpu.dma_semaphore, #tpu.memory_space<semaphore_mem>>, %arg17: memref<!tpu.dma_semaphore, #tpu.memory_space<semaphore_mem>>) attributes {dimension_semantics = [#tpu.dimension_semantics<core_parallel>, #tpu.dimension_semantics<subcore_parallel>], iteration_bounds = array<i64: 2, 16>, scalar_prefetch = 0 : i64, scratch_operands = 9 : i64, tpu.core_type = #tpu.core_type<sc_vector_subcore>, window_params = [{transform_indices = #map}, {transform_indices = #map}, {transform_indices = #map1}, {transform_indices = #map1}, {transform_indices = #map1}, {transform_indices = #map}, {transform_indices = #map}]} {
    %mul3A = arith.constant 2 : i32
    %mul3A_0 = arith.muli %arg1, %mul3A : i32
    %add3A = arith.addi %mul3A_0, %arg0 : i32
    %mul3A_1 = arith.constant 32 : i32
    %mul3A_2 = arith.muli %add3A, %mul3A_1 : i32
    "tpu.region"() ({
      %run_scoped3A = tpu.sem_alloc : memref<!tpu.dma_semaphore, #tpu.memory_space<semaphore_mem>>
      %dma_start3A_1105 = tpu.memref_slice %arg4[%mul3A_2] : memref<1024xi32, #tpu.memory_space<hbm>> -> memref<32xi32, #tpu.memory_space<hbm>>
      %dma_start3A_1106 = tpu.memref_slice %arg4[%mul3A_2] : memref<1024xi32, #tpu.memory_space<hbm>> -> memref<32xi32, #tpu.memory_space<hbm>>
      tpu.enqueue_dma source(%dma_start3A_1106 : memref<32xi32, #tpu.memory_space<hbm>>) target(%arg9 : memref<32xi32, #tpu.memory_space<vmem>>) target_semaphore(%run_scoped3A : memref<!tpu.dma_semaphore, #tpu.memory_space<semaphore_mem>>)
      %dma_wait3A_1107 = tpu.memref_slice %arg4[%mul3A_2] : memref<1024xi32, #tpu.memory_space<hbm>> -> memref<32xi32, #tpu.memory_space<hbm>>
      %dma_wait3A_1108 = tpu.memref_slice %arg4[%mul3A_2] : memref<1024xi32, #tpu.memory_space<hbm>> -> memref<32xi32, #tpu.memory_space<hbm>>
      tpu.wait_dma2 semaphore(%run_scoped3A : memref<!tpu.dma_semaphore, #tpu.memory_space<semaphore_mem>>) src(%dma_wait3A_1108 : memref<32xi32, #tpu.memory_space<hbm>>) dst(%arg9 : memref<32xi32, #tpu.memory_space<vmem>>)
      tpu.yield
    }) : () -> ()
    "tpu.region"() ({
      %run_scoped3A = tpu.sem_alloc : memref<!tpu.dma_semaphore, #tpu.memory_space<semaphore_mem>>
      %dma_start3A_1105 = tpu.memref_slice %arg5[%mul3A_2] : memref<1024xi32, #tpu.memory_space<hbm>> -> memref<32xi32, #tpu.memory_space<hbm>>
      %dma_start3A_1106 = tpu.memref_slice %arg5[%mul3A_2] : memref<1024xi32, #tpu.memory_space<hbm>> -> memref<32xi32, #tpu.memory_space<hbm>>
      tpu.enqueue_dma source(%dma_start3A_1106 : memref<32xi32, #tpu.memory_space<hbm>>) target(%arg10 : memref<32xi32, #tpu.memory_space<vmem>>) target_semaphore(%run_scoped3A : memref<!tpu.dma_semaphore, #tpu.memory_space<semaphore_mem>>)
      %dma_wait3A_1107 = tpu.memref_slice %arg5[%mul3A_2] : memref<1024xi32, #tpu.memory_space<hbm>> -> memref<32xi32, #tpu.memory_space<hbm>>
      %dma_wait3A_1108 = tpu.memref_slice %arg5[%mul3A_2] : memref<1024xi32, #tpu.memory_space<hbm>> -> memref<32xi32, #tpu.memory_space<hbm>>
      tpu.wait_dma2 semaphore(%run_scoped3A : memref<!tpu.dma_semaphore, #tpu.memory_space<semaphore_mem>>) src(%dma_wait3A_1108 : memref<32xi32, #tpu.memory_space<hbm>>) dst(%arg10 : memref<32xi32, #tpu.memory_space<vmem>>)
      tpu.yield
    }) : () -> ()
    "tpu.region"() ({
      %run_scoped3A = tpu.sem_alloc : memref<!tpu.dma_semaphore, #tpu.memory_space<semaphore_mem>>
      %dma_start3A_1105 = tpu.memref_slice %arg6[%mul3A_2] : memref<1024xi32, #tpu.memory_space<hbm>> -> memref<32xi32, #tpu.memory_space<hbm>>
      %dma_start3A_1106 = tpu.memref_slice %arg6[%mul3A_2] : memref<1024xi32, #tpu.memory_space<hbm>> -> memref<32xi32, #tpu.memory_space<hbm>>
      tpu.enqueue_dma source(%dma_start3A_1106 : memref<32xi32, #tpu.memory_space<hbm>>) target(%arg11 : memref<32xi32, #tpu.memory_space<vmem>>) target_semaphore(%run_scoped3A : memref<!tpu.dma_semaphore, #tpu.memory_space<semaphore_mem>>)
      %dma_wait3A_1107 = tpu.memref_slice %arg6[%mul3A_2] : memref<1024xi32, #tpu.memory_space<hbm>> -> memref<32xi32, #tpu.memory_space<hbm>>
      %dma_wait3A_1108 = tpu.memref_slice %arg6[%mul3A_2] : memref<1024xi32, #tpu.memory_space<hbm>> -> memref<32xi32, #tpu.memory_space<hbm>>
      tpu.wait_dma2 semaphore(%run_scoped3A : memref<!tpu.dma_semaphore, #tpu.memory_space<semaphore_mem>>) src(%dma_wait3A_1108 : memref<32xi32, #tpu.memory_space<hbm>>) dst(%arg11 : memref<32xi32, #tpu.memory_space<vmem>>)
      tpu.yield
    }) : () -> ()
    %dma_start3A = arith.constant 0 : i32
    %dma_start3A_3 = arith.constant 0 : i32
    %dma_start3A_4 = tpu.memref_slice %arg2[%dma_start3A, %dma_start3A_3] : memref<100000x32xf32, #tpu.memory_space<hbm>> -> memref<100000x32xf32, #tpu.memory_space<hbm>>
    tpu.enqueue_indirect_dma source(%dma_start3A_4 : memref<100000x32xf32, #tpu.memory_space<hbm>>) target(%arg12 : memref<32x32xf32, #tpu.memory_space<vmem>>) offsets(%arg9 : memref<32xi32, #tpu.memory_space<vmem>>) semaphore(%arg15 : memref<!tpu.dma_semaphore, #tpu.memory_space<semaphore_mem>>)
    %dma_start3A_5 = arith.constant 0 : i32
    %dma_start3A_6 = arith.constant 0 : i32
    %dma_start3A_7 = tpu.memref_slice %arg3[%dma_start3A_5, %dma_start3A_6] : memref<1000x32xf32, #tpu.memory_space<hbm>> -> memref<1000x32xf32, #tpu.memory_space<hbm>>
    tpu.enqueue_indirect_dma source(%dma_start3A_7 : memref<1000x32xf32, #tpu.memory_space<hbm>>) target(%arg13 : memref<32x32xf32, #tpu.memory_space<vmem>>) offsets(%arg10 : memref<32xi32, #tpu.memory_space<vmem>>) semaphore(%arg16 : memref<!tpu.dma_semaphore, #tpu.memory_space<semaphore_mem>>)
    %dma_start3A_8 = arith.constant 0 : i32
    %dma_start3A_9 = arith.constant 0 : i32
    %dma_start3A_10 = tpu.memref_slice %arg2[%dma_start3A_8, %dma_start3A_9] : memref<100000x32xf32, #tpu.memory_space<hbm>> -> memref<100000x32xf32, #tpu.memory_space<hbm>>
    tpu.enqueue_indirect_dma source(%dma_start3A_10 : memref<100000x32xf32, #tpu.memory_space<hbm>>) target(%arg14 : memref<32x32xf32, #tpu.memory_space<vmem>>) offsets(%arg11 : memref<32xi32, #tpu.memory_space<vmem>>) semaphore(%arg17 : memref<!tpu.dma_semaphore, #tpu.memory_space<semaphore_mem>>)
    %dma_wait3A = arith.constant 0 : i32
    %dma_wait3A_11 = arith.constant 0 : i32
    %dma_wait3A_12 = tpu.memref_slice %arg2[%dma_wait3A, %dma_wait3A_11] : memref<100000x32xf32, #tpu.memory_space<hbm>> -> memref<100000x32xf32, #tpu.memory_space<hbm>>
    tpu.wait_indirect_dma semaphore(%arg15 : memref<!tpu.dma_semaphore, #tpu.memory_space<semaphore_mem>>) src(%dma_wait3A_12 : memref<100000x32xf32, #tpu.memory_space<hbm>>) dst(%arg12 : memref<32x32xf32, #tpu.memory_space<vmem>>)
    %dma_wait3A_13 = arith.constant 0 : i32
    %dma_wait3A_14 = arith.constant 0 : i32
    %dma_wait3A_15 = tpu.memref_slice %arg3[%dma_wait3A_13, %dma_wait3A_14] : memref<1000x32xf32, #tpu.memory_space<hbm>> -> memref<1000x32xf32, #tpu.memory_space<hbm>>
    tpu.wait_indirect_dma semaphore(%arg16 : memref<!tpu.dma_semaphore, #tpu.memory_space<semaphore_mem>>) src(%dma_wait3A_15 : memref<1000x32xf32, #tpu.memory_space<hbm>>) dst(%arg13 : memref<32x32xf32, #tpu.memory_space<vmem>>)
    %get3A = arith.constant 0 : i32
    %get3A_16 = arith.index_cast %get3A : i32 to index
    %get3A_17 = arith.constant 0 : index
    %get3A_18 = tpu.vector_load %arg12[%get3A_16, %get3A_17] {strides = array<i32>} : memref<32x32xf32, #tpu.memory_space<vmem>>, vector<1x16xf32>,
    %get3A_19 = vector.shape_cast %get3A_18 : vector<1x16xf32> to vector<16xf32>
    %get3A_20 = arith.constant 0 : i32
    %get3A_21 = arith.index_cast %get3A_20 : i32 to index
    %get3A_22 = arith.constant 0 : index
    %get3A_23 = tpu.vector_load %arg13[%get3A_21, %get3A_22] {strides = array<i32>} : memref<32x32xf32, #tpu.memory_space<vmem>>, vector<1x16xf32>,
    %get3A_24 = vector.shape_cast %get3A_23 : vector<1x16xf32> to vector<16xf32>
    %mul3A_25 = arith.mulf %get3A_19, %get3A_24 : vector<16xf32>
    %swap3A = arith.constant 0 : i32
    %swap3A_26 = arith.index_cast %swap3A : i32 to index
    %swap3A_27 = arith.constant 0 : index
    %swap3A_28 = tpu.vector_load %arg12[%swap3A_26, %swap3A_27] {strides = array<i32>} : memref<32x32xf32, #tpu.memory_space<vmem>>, vector<1x16xf32>,
    %swap3A_29 = vector.shape_cast %swap3A_28 : vector<1x16xf32> to vector<16xf32>
    %swap3A_30 = vector.shape_cast %mul3A_25 : vector<16xf32> to vector<1x16xf32>
    tpu.vector_store %arg12[%swap3A_26, %swap3A_27], %swap3A_30 {strides = array<i32>} : memref<32x32xf32, #tpu.memory_space<vmem>>, vector<1x16xf32>,
    %get3A_31 = arith.constant 0 : i32
    %get3A_32 = arith.index_cast %get3A_31 : i32 to index
    %get3A_33 = arith.constant 16 : index
    %get3A_34 = tpu.vector_load %arg12[%get3A_32, %get3A_33] {strides = array<i32>} : memref<32x32xf32, #tpu.memory_space<vmem>>, vector<1x16xf32>,
    %get3A_35 = vector.shape_cast %get3A_34 : vector<1x16xf32> to vector<16xf32>
    %get3A_36 = arith.constant 0 : i32
    %get3A_37 = arith.index_cast %get3A_36 : i32 to index
    %get3A_38 = arith.constant 16 : index
    %get3A_39 = tpu.vector_load %arg13[%get3A_37, %get3A_38] {strides = array<i32>} : memref<32x32xf32, #tpu.memory_space<vmem>>, vector<1x16xf32>,
    %get3A_40 = vector.shape_cast %get3A_39 : vector<1x16xf32> to vector<16xf32>
    %mul3A_41 = arith.mulf %get3A_35, %get3A_40 : vector<16xf32>
    %swap3A_42 = arith.constant 0 : i32
    %swap3A_43 = arith.index_cast %swap3A_42 : i32 to index
    %swap3A_44 = arith.constant 16 : index
    %swap3A_45 = tpu.vector_load %arg12[%swap3A_43, %swap3A_44] {strides = array<i32>} : memref<32x32xf32, #tpu.memory_space<vmem>>, vector<1x16xf32>,
    %swap3A_46 = vector.shape_cast %swap3A_45 : vector<1x16xf32> to vector<16xf32>
    %swap3A_47 = vector.shape_cast %mul3A_41 : vector<16xf32> to vector<1x16xf32>
    tpu.vector_store %arg12[%swap3A_43, %swap3A_44], %swap3A_47 {strides = array<i32>} : memref<32x32xf32, #tpu.memory_space<vmem>>, vector<1x16xf32>,
    %get3A_48 = arith.constant 1 : i32
    %get3A_49 = arith.index_cast %get3A_48 : i32 to index
    %get3A_50 = arith.constant 0 : index
    %get3A_51 = tpu.vector_load %arg12[%get3A_49, %get3A_50] {strides = array<i32>} : memref<32x32xf32, #tpu.memory_space<vmem>>, vector<1x16xf32>,
    %get3A_52 = vector.shape_cast %get3A_51 : vector<1x16xf32> to vector<16xf32>
    %get3A_53 = arith.constant 1 : i32
    %get3A_54 = arith.index_cast %get3A_53 : i32 to index
    %get3A_55 = arith.constant 0 : index
    %get3A_56 = tpu.vector_load %arg13[%get3A_54, %get3A_55] {strides = array<i32>} : memref<32x32xf32, #tpu.memory_space<vmem>>, vector<1x16xf32>,
    %get3A_57 = vector.shape_cast %get3A_56 : vector<1x16xf32> to vector<16xf32>
    %mul3A_58 = arith.mulf %get3A_52, %get3A_57 : vector<16xf32>
    %swap3A_59 = arith.constant 1 : i32
    %swap3A_60 = arith.index_cast %swap3A_59 : i32 to index
    %swap3A_61 = arith.constant 0 : index
    %swap3A_62 = tpu.vector_load %arg12[%swap3A_60, %swap3A_61] {strides = array<i32>} : memref<32x32xf32, #tpu.memory_space<vmem>>, vector<1x16xf32>,
    %swap3A_63 = vector.shape_cast %swap3A_62 : vector<1x16xf32> to vector<16xf32>
    %swap3A_64 = vector.shape_cast %mul3A_58 : vector<16xf32> to vector<1x16xf32>
    tpu.vector_store %arg12[%swap3A_60, %swap3A_61], %swap3A_64 {strides = array<i32>} : memref<32x32xf32, #tpu.memory_space<vmem>>, vector<1x16xf32>,
    %get3A_65 = arith.constant 1 : i32
    %get3A_66 = arith.index_cast %get3A_65 : i32 to index
    %get3A_67 = arith.constant 16 : index
    %get3A_68 = tpu.vector_load %arg12[%get3A_66, %get3A_67] {strides = array<i32>} : memref<32x32xf32, #tpu.memory_space<vmem>>, vector<1x16xf32>,
    %get3A_69 = vector.shape_cast %get3A_68 : vector<1x16xf32> to vector<16xf32>
    %get3A_70 = arith.constant 1 : i32
    %get3A_71 = arith.index_cast %get3A_70 : i32 to index
    %get3A_72 = arith.constant 16 : index
    %get3A_73 = tpu.vector_load %arg13[%get3A_71, %get3A_72] {strides = array<i32>} : memref<32x32xf32, #tpu.memory_space<vmem>>, vector<1x16xf32>,
    %get3A_74 = vector.shape_cast %get3A_73 : vector<1x16xf32> to vector<16xf32>
    %mul3A_75 = arith.mulf %get3A_69, %get3A_74 : vector<16xf32>
    %swap3A_76 = arith.constant 1 : i32
    %swap3A_77 = arith.index_cast %swap3A_76 : i32 to index
    %swap3A_78 = arith.constant 16 : index
    %swap3A_79 = tpu.vector_load %arg12[%swap3A_77, %swap3A_78] {strides = array<i32>} : memref<32x32xf32, #tpu.memory_space<vmem>>, vector<1x16xf32>,
    %swap3A_80 = vector.shape_cast %swap3A_79 : vector<1x16xf32> to vector<16xf32>
    %swap3A_81 = vector.shape_cast %mul3A_75 : vector<16xf32> to vector<1x16xf32>
    tpu.vector_store %arg12[%swap3A_77, %swap3A_78], %swap3A_81 {strides = array<i32>} : memref<32x32xf32, #tpu.memory_space<vmem>>, vector<1x16xf32>,
    %get3A_82 = arith.constant 2 : i32
    %get3A_83 = arith.index_cast %get3A_82 : i32 to index
    %get3A_84 = arith.constant 0 : index
    %get3A_85 = tpu.vector_load %arg12[%get3A_83, %get3A_84] {strides = array<i32>} : memref<32x32xf32, #tpu.memory_space<vmem>>, vector<1x16xf32>,
    %get3A_86 = vector.shape_cast %get3A_85 : vector<1x16xf32> to vector<16xf32>
    %get3A_87 = arith.constant 2 : i32
    %get3A_88 = arith.index_cast %get3A_87 : i32 to index
    %get3A_89 = arith.constant 0 : index
    %get3A_90 = tpu.vector_load %arg13[%get3A_88, %get3A_89] {strides = array<i32>} : memref<32x32xf32, #tpu.memory_space<vmem>>, vector<1x16xf32>,
    %get3A_91 = vector.shape_cast %get3A_90 : vector<1x16xf32> to vector<16xf32>
    %mul3A_92 = arith.mulf %get3A_86, %get3A_91 : vector<16xf32>
    %swap3A_93 = arith.constant 2 : i32
    %swap3A_94 = arith.index_cast %swap3A_93 : i32 to index
    %swap3A_95 = arith.constant 0 : index
    %swap3A_96 = tpu.vector_load %arg12[%swap3A_94, %swap3A_95] {strides = array<i32>} : memref<32x32xf32, #tpu.memory_space<vmem>>, vector<1x16xf32>,
    %swap3A_97 = vector.shape_cast %swap3A_96 : vector<1x16xf32> to vector<16xf32>
    %swap3A_98 = vector.shape_cast %mul3A_92 : vector<16xf32> to vector<1x16xf32>
    tpu.vector_store %arg12[%swap3A_94, %swap3A_95], %swap3A_98 {strides = array<i32>} : memref<32x32xf32, #tpu.memory_space<vmem>>, vector<1x16xf32>,
    %get3A_99 = arith.constant 2 : i32
    %get3A_100 = arith.index_cast %get3A_99 : i32 to index
    %get3A_101 = arith.constant 16 : index
    %get3A_102 = tpu.vector_load %arg12[%get3A_100, %get3A_101] {strides = array<i32>} : memref<32x32xf32, #tpu.memory_space<vmem>>, vector<1x16xf32>,
    %get3A_103 = vector.shape_cast %get3A_102 : vector<1x16xf32> to vector<16xf32>
    %get3A_104 = arith.constant 2 : i32
    %get3A_105 = arith.index_cast %get3A_104 : i32 to index
    %get3A_106 = arith.constant 16 : index
    %get3A_107 = tpu.vector_load %arg13[%get3A_105, %get3A_106] {strides = array<i32>} : memref<32x32xf32, #tpu.memory_space<vmem>>, vector<1x16xf32>,
    %get3A_108 = vector.shape_cast %get3A_107 : vector<1x16xf32> to vector<16xf32>
    %mul3A_109 = arith.mulf %get3A_103, %get3A_108 : vector<16xf32>
    %swap3A_110 = arith.constant 2 : i32
    %swap3A_111 = arith.index_cast %swap3A_110 : i32 to index
    %swap3A_112 = arith.constant 16 : index
    %swap3A_113 = tpu.vector_load %arg12[%swap3A_111, %swap3A_112] {strides = array<i32>} : memref<32x32xf32, #tpu.memory_space<vmem>>, vector<1x16xf32>,
    %swap3A_114 = vector.shape_cast %swap3A_113 : vector<1x16xf32> to vector<16xf32>
    %swap3A_115 = vector.shape_cast %mul3A_109 : vector<16xf32> to vector<1x16xf32>
    tpu.vector_store %arg12[%swap3A_111, %swap3A_112], %swap3A_115 {strides = array<i32>} : memref<32x32xf32, #tpu.memory_space<vmem>>, vector<1x16xf32>,
    %get3A_116 = arith.constant 3 : i32
    %get3A_117 = arith.index_cast %get3A_116 : i32 to index
    %get3A_118 = arith.constant 0 : index
    %get3A_119 = tpu.vector_load %arg12[%get3A_117, %get3A_118] {strides = array<i32>} : memref<32x32xf32, #tpu.memory_space<vmem>>, vector<1x16xf32>,
    %get3A_120 = vector.shape_cast %get3A_119 : vector<1x16xf32> to vector<16xf32>
    %get3A_121 = arith.constant 3 : i32
    %get3A_122 = arith.index_cast %get3A_121 : i32 to index
    %get3A_123 = arith.constant 0 : index
    %get3A_124 = tpu.vector_load %arg13[%get3A_122, %get3A_123] {strides = array<i32>} : memref<32x32xf32, #tpu.memory_space<vmem>>, vector<1x16xf32>,
    %get3A_125 = vector.shape_cast %get3A_124 : vector<1x16xf32> to vector<16xf32>
    %mul3A_126 = arith.mulf %get3A_120, %get3A_125 : vector<16xf32>
    %swap3A_127 = arith.constant 3 : i32
    %swap3A_128 = arith.index_cast %swap3A_127 : i32 to index
    %swap3A_129 = arith.constant 0 : index
    %swap3A_130 = tpu.vector_load %arg12[%swap3A_128, %swap3A_129] {strides = array<i32>} : memref<32x32xf32, #tpu.memory_space<vmem>>, vector<1x16xf32>,
    %swap3A_131 = vector.shape_cast %swap3A_130 : vector<1x16xf32> to vector<16xf32>
    %swap3A_132 = vector.shape_cast %mul3A_126 : vector<16xf32> to vector<1x16xf32>
    tpu.vector_store %arg12[%swap3A_128, %swap3A_129], %swap3A_132 {strides = array<i32>} : memref<32x32xf32, #tpu.memory_space<vmem>>, vector<1x16xf32>,
    %get3A_133 = arith.constant 3 : i32
    %get3A_134 = arith.index_cast %get3A_133 : i32 to index
    %get3A_135 = arith.constant 16 : index
    %get3A_136 = tpu.vector_load %arg12[%get3A_134, %get3A_135] {strides = array<i32>} : memref<32x32xf32, #tpu.memory_space<vmem>>, vector<1x16xf32>,
    %get3A_137 = vector.shape_cast %get3A_136 : vector<1x16xf32> to vector<16xf32>
    %get3A_138 = arith.constant 3 : i32
    %get3A_139 = arith.index_cast %get3A_138 : i32 to index
    %get3A_140 = arith.constant 16 : index
    %get3A_141 = tpu.vector_load %arg13[%get3A_139, %get3A_140] {strides = array<i32>} : memref<32x32xf32, #tpu.memory_space<vmem>>, vector<1x16xf32>,
    %get3A_142 = vector.shape_cast %get3A_141 : vector<1x16xf32> to vector<16xf32>
    %mul3A_143 = arith.mulf %get3A_137, %get3A_142 : vector<16xf32>
    %swap3A_144 = arith.constant 3 : i32
    %swap3A_145 = arith.index_cast %swap3A_144 : i32 to index
    %swap3A_146 = arith.constant 16 : index
    %swap3A_147 = tpu.vector_load %arg12[%swap3A_145, %swap3A_146] {strides = array<i32>} : memref<32x32xf32, #tpu.memory_space<vmem>>, vector<1x16xf32>,
    %swap3A_148 = vector.shape_cast %swap3A_147 : vector<1x16xf32> to vector<16xf32>
    %swap3A_149 = vector.shape_cast %mul3A_143 : vector<16xf32> to vector<1x16xf32>
    tpu.vector_store %arg12[%swap3A_145, %swap3A_146], %swap3A_149 {strides = array<i32>} : memref<32x32xf32, #tpu.memory_space<vmem>>, vector<1x16xf32>,
    %get3A_150 = arith.constant 4 : i32
    %get3A_151 = arith.index_cast %get3A_150 : i32 to index
    %get3A_152 = arith.constant 0 : index
    %get3A_153 = tpu.vector_load %arg12[%get3A_151, %get3A_152] {strides = array<i32>} : memref<32x32xf32, #tpu.memory_space<vmem>>, vector<1x16xf32>,
    %get3A_154 = vector.shape_cast %get3A_153 : vector<1x16xf32> to vector<16xf32>
    %get3A_155 = arith.constant 4 : i32
    %get3A_156 = arith.index_cast %get3A_155 : i32 to index
    %get3A_157 = arith.constant 0 : index
    %get3A_158 = tpu.vector_load %arg13[%get3A_156, %get3A_157] {strides = array<i32>} : memref<32x32xf32, #tpu.memory_space<vmem>>, vector<1x16xf32>,
    %get3A_159 = vector.shape_cast %get3A_158 : vector<1x16xf32> to vector<16xf32>
    %mul3A_160 = arith.mulf %get3A_154, %get3A_159 : vector<16xf32>
    %swap3A_161 = arith.constant 4 : i32
    %swap3A_162 = arith.index_cast %swap3A_161 : i32 to index
    %swap3A_163 = arith.constant 0 : index
    %swap3A_164 = tpu.vector_load %arg12[%swap3A_162, %swap3A_163] {strides = array<i32>} : memref<32x32xf32, #tpu.memory_space<vmem>>, vector<1x16xf32>,
    %swap3A_165 = vector.shape_cast %swap3A_164 : vector<1x16xf32> to vector<16xf32>
    %swap3A_166 = vector.shape_cast %mul3A_160 : vector<16xf32> to vector<1x16xf32>
    tpu.vector_store %arg12[%swap3A_162, %swap3A_163], %swap3A_166 {strides = array<i32>} : memref<32x32xf32, #tpu.memory_space<vmem>>, vector<1x16xf32>,
    %get3A_167 = arith.constant 4 : i32
    %get3A_168 = arith.index_cast %get3A_167 : i32 to index
    %get3A_169 = arith.constant 16 : index
    %get3A_170 = tpu.vector_load %arg12[%get3A_168, %get3A_169] {strides = array<i32>} : memref<32x32xf32, #tpu.memory_space<vmem>>, vector<1x16xf32>,
    %get3A_171 = vector.shape_cast %get3A_170 : vector<1x16xf32> to vector<16xf32>
    %get3A_172 = arith.constant 4 : i32
    %get3A_173 = arith.index_cast %get3A_172 : i32 to index
    %get3A_174 = arith.constant 16 : index
    %get3A_175 = tpu.vector_load %arg13[%get3A_173, %get3A_174] {strides = array<i32>} : memref<32x32xf32, #tpu.memory_space<vmem>>, vector<1x16xf32>,
    %get3A_176 = vector.shape_cast %get3A_175 : vector<1x16xf32> to vector<16xf32>
    %mul3A_177 = arith.mulf %get3A_171, %get3A_176 : vector<16xf32>
    %swap3A_178 = arith.constant 4 : i32
    %swap3A_179 = arith.index_cast %swap3A_178 : i32 to index
    %swap3A_180 = arith.constant 16 : index
    %swap3A_181 = tpu.vector_load %arg12[%swap3A_179, %swap3A_180] {strides = array<i32>} : memref<32x32xf32, #tpu.memory_space<vmem>>, vector<1x16xf32>,
    %swap3A_182 = vector.shape_cast %swap3A_181 : vector<1x16xf32> to vector<16xf32>
    %swap3A_183 = vector.shape_cast %mul3A_177 : vector<16xf32> to vector<1x16xf32>
    tpu.vector_store %arg12[%swap3A_179, %swap3A_180], %swap3A_183 {strides = array<i32>} : memref<32x32xf32, #tpu.memory_space<vmem>>, vector<1x16xf32>,
    %get3A_184 = arith.constant 5 : i32
    %get3A_185 = arith.index_cast %get3A_184 : i32 to index
    %get3A_186 = arith.constant 0 : index
    %get3A_187 = tpu.vector_load %arg12[%get3A_185, %get3A_186] {strides = array<i32>} : memref<32x32xf32, #tpu.memory_space<vmem>>, vector<1x16xf32>,
    %get3A_188 = vector.shape_cast %get3A_187 : vector<1x16xf32> to vector<16xf32>
    %get3A_189 = arith.constant 5 : i32
    %get3A_190 = arith.index_cast %get3A_189 : i32 to index
    %get3A_191 = arith.constant 0 : index
    %get3A_192 = tpu.vector_load %arg13[%get3A_190, %get3A_191] {strides = array<i32>} : memref<32x32xf32, #tpu.memory_space<vmem>>, vector<1x16xf32>,
    %get3A_193 = vector.shape_cast %get3A_192 : vector<1x16xf32> to vector<16xf32>
    %mul3A_194 = arith.mulf %get3A_188, %get3A_193 : vector<16xf32>
    %swap3A_195 = arith.constant 5 : i32
    %swap3A_196 = arith.index_cast %swap3A_195 : i32 to index
    %swap3A_197 = arith.constant 0 : index
    %swap3A_198 = tpu.vector_load %arg12[%swap3A_196, %swap3A_197] {strides = array<i32>} : memref<32x32xf32, #tpu.memory_space<vmem>>, vector<1x16xf32>,
    %swap3A_199 = vector.shape_cast %swap3A_198 : vector<1x16xf32> to vector<16xf32>
    %swap3A_200 = vector.shape_cast %mul3A_194 : vector<16xf32> to vector<1x16xf32>
    tpu.vector_store %arg12[%swap3A_196, %swap3A_197], %swap3A_200 {strides = array<i32>} : memref<32x32xf32, #tpu.memory_space<vmem>>, vector<1x16xf32>,
    %get3A_201 = arith.constant 5 : i32
    %get3A_202 = arith.index_cast %get3A_201 : i32 to index
    %get3A_203 = arith.constant 16 : index
    %get3A_204 = tpu.vector_load %arg12[%get3A_202, %get3A_203] {strides = array<i32>} : memref<32x32xf32, #tpu.memory_space<vmem>>, vector<1x16xf32>,
    %get3A_205 = vector.shape_cast %get3A_204 : vector<1x16xf32> to vector<16xf32>
    %get3A_206 = arith.constant 5 : i32
    %get3A_207 = arith.index_cast %get3A_206 : i32 to index
    %get3A_208 = arith.constant 16 : index
    %get3A_209 = tpu.vector_load %arg13[%get3A_207, %get3A_208] {strides = array<i32>} : memref<32x32xf32, #tpu.memory_space<vmem>>, vector<1x16xf32>,
    %get3A_210 = vector.shape_cast %get3A_209 : vector<1x16xf32> to vector<16xf32>
    %mul3A_211 = arith.mulf %get3A_205, %get3A_210 : vector<16xf32>
    %swap3A_212 = arith.constant 5 : i32
    %swap3A_213 = arith.index_cast %swap3A_212 : i32 to index
    %swap3A_214 = arith.constant 16 : index
    %swap3A_215 = tpu.vector_load %arg12[%swap3A_213, %swap3A_214] {strides = array<i32>} : memref<32x32xf32, #tpu.memory_space<vmem>>, vector<1x16xf32>,
    %swap3A_216 = vector.shape_cast %swap3A_215 : vector<1x16xf32> to vector<16xf32>
    %swap3A_217 = vector.shape_cast %mul3A_211 : vector<16xf32> to vector<1x16xf32>
    tpu.vector_store %arg12[%swap3A_213, %swap3A_214], %swap3A_217 {strides = array<i32>} : memref<32x32xf32, #tpu.memory_space<vmem>>, vector<1x16xf32>,
    %get3A_218 = arith.constant 6 : i32
    %get3A_219 = arith.index_cast %get3A_218 : i32 to index
    %get3A_220 = arith.constant 0 : index
    %get3A_221 = tpu.vector_load %arg12[%get3A_219, %get3A_220] {strides = array<i32>} : memref<32x32xf32, #tpu.memory_space<vmem>>, vector<1x16xf32>,
    %get3A_222 = vector.shape_cast %get3A_221 : vector<1x16xf32> to vector<16xf32>
    %get3A_223 = arith.constant 6 : i32
    %get3A_224 = arith.index_cast %get3A_223 : i32 to index
    %get3A_225 = arith.constant 0 : index
    %get3A_226 = tpu.vector_load %arg13[%get3A_224, %get3A_225] {strides = array<i32>} : memref<32x32xf32, #tpu.memory_space<vmem>>, vector<1x16xf32>,
    %get3A_227 = vector.shape_cast %get3A_226 : vector<1x16xf32> to vector<16xf32>
    %mul3A_228 = arith.mulf %get3A_222, %get3A_227 : vector<16xf32>
    %swap3A_229 = arith.constant 6 : i32
    %swap3A_230 = arith.index_cast %swap3A_229 : i32 to index
    %swap3A_231 = arith.constant 0 : index
    %swap3A_232 = tpu.vector_load %arg12[%swap3A_230, %swap3A_231] {strides = array<i32>} : memref<32x32xf32, #tpu.memory_space<vmem>>, vector<1x16xf32>,
    %swap3A_233 = vector.shape_cast %swap3A_232 : vector<1x16xf32> to vector<16xf32>
    %swap3A_234 = vector.shape_cast %mul3A_228 : vector<16xf32> to vector<1x16xf32>
    tpu.vector_store %arg12[%swap3A_230, %swap3A_231], %swap3A_234 {strides = array<i32>} : memref<32x32xf32, #tpu.memory_space<vmem>>, vector<1x16xf32>,
    %get3A_235 = arith.constant 6 : i32
    %get3A_236 = arith.index_cast %get3A_235 : i32 to index
    %get3A_237 = arith.constant 16 : index
    %get3A_238 = tpu.vector_load %arg12[%get3A_236, %get3A_237] {strides = array<i32>} : memref<32x32xf32, #tpu.memory_space<vmem>>, vector<1x16xf32>,
    %get3A_239 = vector.shape_cast %get3A_238 : vector<1x16xf32> to vector<16xf32>
    %get3A_240 = arith.constant 6 : i32
    %get3A_241 = arith.index_cast %get3A_240 : i32 to index
    %get3A_242 = arith.constant 16 : index
    %get3A_243 = tpu.vector_load %arg13[%get3A_241, %get3A_242] {strides = array<i32>} : memref<32x32xf32, #tpu.memory_space<vmem>>, vector<1x16xf32>,
    %get3A_244 = vector.shape_cast %get3A_243 : vector<1x16xf32> to vector<16xf32>
    %mul3A_245 = arith.mulf %get3A_239, %get3A_244 : vector<16xf32>
    %swap3A_246 = arith.constant 6 : i32
    %swap3A_247 = arith.index_cast %swap3A_246 : i32 to index
    %swap3A_248 = arith.constant 16 : index
    %swap3A_249 = tpu.vector_load %arg12[%swap3A_247, %swap3A_248] {strides = array<i32>} : memref<32x32xf32, #tpu.memory_space<vmem>>, vector<1x16xf32>,
    %swap3A_250 = vector.shape_cast %swap3A_249 : vector<1x16xf32> to vector<16xf32>
    %swap3A_251 = vector.shape_cast %mul3A_245 : vector<16xf32> to vector<1x16xf32>
    tpu.vector_store %arg12[%swap3A_247, %swap3A_248], %swap3A_251 {strides = array<i32>} : memref<32x32xf32, #tpu.memory_space<vmem>>, vector<1x16xf32>,
    %get3A_252 = arith.constant 7 : i32
    %get3A_253 = arith.index_cast %get3A_252 : i32 to index
    %get3A_254 = arith.constant 0 : index
    %get3A_255 = tpu.vector_load %arg12[%get3A_253, %get3A_254] {strides = array<i32>} : memref<32x32xf32, #tpu.memory_space<vmem>>, vector<1x16xf32>,
    %get3A_256 = vector.shape_cast %get3A_255 : vector<1x16xf32> to vector<16xf32>
    %get3A_257 = arith.constant 7 : i32
    %get3A_258 = arith.index_cast %get3A_257 : i32 to index
    %get3A_259 = arith.constant 0 : index
    %get3A_260 = tpu.vector_load %arg13[%get3A_258, %get3A_259] {strides = array<i32>} : memref<32x32xf32, #tpu.memory_space<vmem>>, vector<1x16xf32>,
    %get3A_261 = vector.shape_cast %get3A_260 : vector<1x16xf32> to vector<16xf32>
    %mul3A_262 = arith.mulf %get3A_256, %get3A_261 : vector<16xf32>
    %swap3A_263 = arith.constant 7 : i32
    %swap3A_264 = arith.index_cast %swap3A_263 : i32 to index
    %swap3A_265 = arith.constant 0 : index
    %swap3A_266 = tpu.vector_load %arg12[%swap3A_264, %swap3A_265] {strides = array<i32>} : memref<32x32xf32, #tpu.memory_space<vmem>>, vector<1x16xf32>,
    %swap3A_267 = vector.shape_cast %swap3A_266 : vector<1x16xf32> to vector<16xf32>
    %swap3A_268 = vector.shape_cast %mul3A_262 : vector<16xf32> to vector<1x16xf32>
    tpu.vector_store %arg12[%swap3A_264, %swap3A_265], %swap3A_268 {strides = array<i32>} : memref<32x32xf32, #tpu.memory_space<vmem>>, vector<1x16xf32>,
    %get3A_269 = arith.constant 7 : i32
    %get3A_270 = arith.index_cast %get3A_269 : i32 to index
    %get3A_271 = arith.constant 16 : index
    %get3A_272 = tpu.vector_load %arg12[%get3A_270, %get3A_271] {strides = array<i32>} : memref<32x32xf32, #tpu.memory_space<vmem>>, vector<1x16xf32>,
    %get3A_273 = vector.shape_cast %get3A_272 : vector<1x16xf32> to vector<16xf32>
    %get3A_274 = arith.constant 7 : i32
    %get3A_275 = arith.index_cast %get3A_274 : i32 to index
    %get3A_276 = arith.constant 16 : index
    %get3A_277 = tpu.vector_load %arg13[%get3A_275, %get3A_276] {strides = array<i32>} : memref<32x32xf32, #tpu.memory_space<vmem>>, vector<1x16xf32>,
    %get3A_278 = vector.shape_cast %get3A_277 : vector<1x16xf32> to vector<16xf32>
    %mul3A_279 = arith.mulf %get3A_273, %get3A_278 : vector<16xf32>
    %swap3A_280 = arith.constant 7 : i32
    %swap3A_281 = arith.index_cast %swap3A_280 : i32 to index
    %swap3A_282 = arith.constant 16 : index
    %swap3A_283 = tpu.vector_load %arg12[%swap3A_281, %swap3A_282] {strides = array<i32>} : memref<32x32xf32, #tpu.memory_space<vmem>>, vector<1x16xf32>,
    %swap3A_284 = vector.shape_cast %swap3A_283 : vector<1x16xf32> to vector<16xf32>
    %swap3A_285 = vector.shape_cast %mul3A_279 : vector<16xf32> to vector<1x16xf32>
    tpu.vector_store %arg12[%swap3A_281, %swap3A_282], %swap3A_285 {strides = array<i32>} : memref<32x32xf32, #tpu.memory_space<vmem>>, vector<1x16xf32>,
    %get3A_286 = arith.constant 8 : i32
    %get3A_287 = arith.index_cast %get3A_286 : i32 to index
    %get3A_288 = arith.constant 0 : index
    %get3A_289 = tpu.vector_load %arg12[%get3A_287, %get3A_288] {strides = array<i32>} : memref<32x32xf32, #tpu.memory_space<vmem>>, vector<1x16xf32>,
    %get3A_290 = vector.shape_cast %get3A_289 : vector<1x16xf32> to vector<16xf32>
    %get3A_291 = arith.constant 8 : i32
    %get3A_292 = arith.index_cast %get3A_291 : i32 to index
    %get3A_293 = arith.constant 0 : index
    %get3A_294 = tpu.vector_load %arg13[%get3A_292, %get3A_293] {strides = array<i32>} : memref<32x32xf32, #tpu.memory_space<vmem>>, vector<1x16xf32>,
    %get3A_295 = vector.shape_cast %get3A_294 : vector<1x16xf32> to vector<16xf32>
    %mul3A_296 = arith.mulf %get3A_290, %get3A_295 : vector<16xf32>
    %swap3A_297 = arith.constant 8 : i32
    %swap3A_298 = arith.index_cast %swap3A_297 : i32 to index
    %swap3A_299 = arith.constant 0 : index
    %swap3A_300 = tpu.vector_load %arg12[%swap3A_298, %swap3A_299] {strides = array<i32>} : memref<32x32xf32, #tpu.memory_space<vmem>>, vector<1x16xf32>,
    %swap3A_301 = vector.shape_cast %swap3A_300 : vector<1x16xf32> to vector<16xf32>
    %swap3A_302 = vector.shape_cast %mul3A_296 : vector<16xf32> to vector<1x16xf32>
    tpu.vector_store %arg12[%swap3A_298, %swap3A_299], %swap3A_302 {strides = array<i32>} : memref<32x32xf32, #tpu.memory_space<vmem>>, vector<1x16xf32>,
    %get3A_303 = arith.constant 8 : i32
    %get3A_304 = arith.index_cast %get3A_303 : i32 to index
    %get3A_305 = arith.constant 16 : index
    %get3A_306 = tpu.vector_load %arg12[%get3A_304, %get3A_305] {strides = array<i32>} : memref<32x32xf32, #tpu.memory_space<vmem>>, vector<1x16xf32>,
    %get3A_307 = vector.shape_cast %get3A_306 : vector<1x16xf32> to vector<16xf32>
    %get3A_308 = arith.constant 8 : i32
    %get3A_309 = arith.index_cast %get3A_308 : i32 to index
    %get3A_310 = arith.constant 16 : index
    %get3A_311 = tpu.vector_load %arg13[%get3A_309, %get3A_310] {strides = array<i32>} : memref<32x32xf32, #tpu.memory_space<vmem>>, vector<1x16xf32>,
    %get3A_312 = vector.shape_cast %get3A_311 : vector<1x16xf32> to vector<16xf32>
    %mul3A_313 = arith.mulf %get3A_307, %get3A_312 : vector<16xf32>
    %swap3A_314 = arith.constant 8 : i32
    %swap3A_315 = arith.index_cast %swap3A_314 : i32 to index
    %swap3A_316 = arith.constant 16 : index
    %swap3A_317 = tpu.vector_load %arg12[%swap3A_315, %swap3A_316] {strides = array<i32>} : memref<32x32xf32, #tpu.memory_space<vmem>>, vector<1x16xf32>,
    %swap3A_318 = vector.shape_cast %swap3A_317 : vector<1x16xf32> to vector<16xf32>
    %swap3A_319 = vector.shape_cast %mul3A_313 : vector<16xf32> to vector<1x16xf32>
    tpu.vector_store %arg12[%swap3A_315, %swap3A_316], %swap3A_319 {strides = array<i32>} : memref<32x32xf32, #tpu.memory_space<vmem>>, vector<1x16xf32>,
    %get3A_320 = arith.constant 9 : i32
    %get3A_321 = arith.index_cast %get3A_320 : i32 to index
    %get3A_322 = arith.constant 0 : index
    %get3A_323 = tpu.vector_load %arg12[%get3A_321, %get3A_322] {strides = array<i32>} : memref<32x32xf32, #tpu.memory_space<vmem>>, vector<1x16xf32>,
    %get3A_324 = vector.shape_cast %get3A_323 : vector<1x16xf32> to vector<16xf32>
    %get3A_325 = arith.constant 9 : i32
    %get3A_326 = arith.index_cast %get3A_325 : i32 to index
    %get3A_327 = arith.constant 0 : index
    %get3A_328 = tpu.vector_load %arg13[%get3A_326, %get3A_327] {strides = array<i32>} : memref<32x32xf32, #tpu.memory_space<vmem>>, vector<1x16xf32>,
    %get3A_329 = vector.shape_cast %get3A_328 : vector<1x16xf32> to vector<16xf32>
    %mul3A_330 = arith.mulf %get3A_324, %get3A_329 : vector<16xf32>
    %swap3A_331 = arith.constant 9 : i32
    %swap3A_332 = arith.index_cast %swap3A_331 : i32 to index
    %swap3A_333 = arith.constant 0 : index
    %swap3A_334 = tpu.vector_load %arg12[%swap3A_332, %swap3A_333] {strides = array<i32>} : memref<32x32xf32, #tpu.memory_space<vmem>>, vector<1x16xf32>,
    %swap3A_335 = vector.shape_cast %swap3A_334 : vector<1x16xf32> to vector<16xf32>
    %swap3A_336 = vector.shape_cast %mul3A_330 : vector<16xf32> to vector<1x16xf32>
    tpu.vector_store %arg12[%swap3A_332, %swap3A_333], %swap3A_336 {strides = array<i32>} : memref<32x32xf32, #tpu.memory_space<vmem>>, vector<1x16xf32>,
    %get3A_337 = arith.constant 9 : i32
    %get3A_338 = arith.index_cast %get3A_337 : i32 to index
    %get3A_339 = arith.constant 16 : index
    %get3A_340 = tpu.vector_load %arg12[%get3A_338, %get3A_339] {strides = array<i32>} : memref<32x32xf32, #tpu.memory_space<vmem>>, vector<1x16xf32>,
    %get3A_341 = vector.shape_cast %get3A_340 : vector<1x16xf32> to vector<16xf32>
    %get3A_342 = arith.constant 9 : i32
    %get3A_343 = arith.index_cast %get3A_342 : i32 to index
    %get3A_344 = arith.constant 16 : index
    %get3A_345 = tpu.vector_load %arg13[%get3A_343, %get3A_344] {strides = array<i32>} : memref<32x32xf32, #tpu.memory_space<vmem>>, vector<1x16xf32>,
    %get3A_346 = vector.shape_cast %get3A_345 : vector<1x16xf32> to vector<16xf32>
    %mul3A_347 = arith.mulf %get3A_341, %get3A_346 : vector<16xf32>
    %swap3A_348 = arith.constant 9 : i32
    %swap3A_349 = arith.index_cast %swap3A_348 : i32 to index
    %swap3A_350 = arith.constant 16 : index
    %swap3A_351 = tpu.vector_load %arg12[%swap3A_349, %swap3A_350] {strides = array<i32>} : memref<32x32xf32, #tpu.memory_space<vmem>>, vector<1x16xf32>,
    %swap3A_352 = vector.shape_cast %swap3A_351 : vector<1x16xf32> to vector<16xf32>
    %swap3A_353 = vector.shape_cast %mul3A_347 : vector<16xf32> to vector<1x16xf32>
    tpu.vector_store %arg12[%swap3A_349, %swap3A_350], %swap3A_353 {strides = array<i32>} : memref<32x32xf32, #tpu.memory_space<vmem>>, vector<1x16xf32>,
    %get3A_354 = arith.constant 10 : i32
    %get3A_355 = arith.index_cast %get3A_354 : i32 to index
    %get3A_356 = arith.constant 0 : index
    %get3A_357 = tpu.vector_load %arg12[%get3A_355, %get3A_356] {strides = array<i32>} : memref<32x32xf32, #tpu.memory_space<vmem>>, vector<1x16xf32>,
    %get3A_358 = vector.shape_cast %get3A_357 : vector<1x16xf32> to vector<16xf32>
    %get3A_359 = arith.constant 10 : i32
    %get3A_360 = arith.index_cast %get3A_359 : i32 to index
    %get3A_361 = arith.constant 0 : index
    %get3A_362 = tpu.vector_load %arg13[%get3A_360, %get3A_361] {strides = array<i32>} : memref<32x32xf32, #tpu.memory_space<vmem>>, vector<1x16xf32>,
    %get3A_363 = vector.shape_cast %get3A_362 : vector<1x16xf32> to vector<16xf32>
    %mul3A_364 = arith.mulf %get3A_358, %get3A_363 : vector<16xf32>
    %swap3A_365 = arith.constant 10 : i32
    %swap3A_366 = arith.index_cast %swap3A_365 : i32 to index
    %swap3A_367 = arith.constant 0 : index
    %swap3A_368 = tpu.vector_load %arg12[%swap3A_366, %swap3A_367] {strides = array<i32>} : memref<32x32xf32, #tpu.memory_space<vmem>>, vector<1x16xf32>,
    %swap3A_369 = vector.shape_cast %swap3A_368 : vector<1x16xf32> to vector<16xf32>
    %swap3A_370 = vector.shape_cast %mul3A_364 : vector<16xf32> to vector<1x16xf32>
    tpu.vector_store %arg12[%swap3A_366, %swap3A_367], %swap3A_370 {strides = array<i32>} : memref<32x32xf32, #tpu.memory_space<vmem>>, vector<1x16xf32>,
    %get3A_371 = arith.constant 10 : i32
    %get3A_372 = arith.index_cast %get3A_371 : i32 to index
    %get3A_373 = arith.constant 16 : index
    %get3A_374 = tpu.vector_load %arg12[%get3A_372, %get3A_373] {strides = array<i32>} : memref<32x32xf32, #tpu.memory_space<vmem>>, vector<1x16xf32>,
    %get3A_375 = vector.shape_cast %get3A_374 : vector<1x16xf32> to vector<16xf32>
    %get3A_376 = arith.constant 10 : i32
    %get3A_377 = arith.index_cast %get3A_376 : i32 to index
    %get3A_378 = arith.constant 16 : index
    %get3A_379 = tpu.vector_load %arg13[%get3A_377, %get3A_378] {strides = array<i32>} : memref<32x32xf32, #tpu.memory_space<vmem>>, vector<1x16xf32>,
    %get3A_380 = vector.shape_cast %get3A_379 : vector<1x16xf32> to vector<16xf32>
    %mul3A_381 = arith.mulf %get3A_375, %get3A_380 : vector<16xf32>
    %swap3A_382 = arith.constant 10 : i32
    %swap3A_383 = arith.index_cast %swap3A_382 : i32 to index
    %swap3A_384 = arith.constant 16 : index
    %swap3A_385 = tpu.vector_load %arg12[%swap3A_383, %swap3A_384] {strides = array<i32>} : memref<32x32xf32, #tpu.memory_space<vmem>>, vector<1x16xf32>,
    %swap3A_386 = vector.shape_cast %swap3A_385 : vector<1x16xf32> to vector<16xf32>
    %swap3A_387 = vector.shape_cast %mul3A_381 : vector<16xf32> to vector<1x16xf32>
    tpu.vector_store %arg12[%swap3A_383, %swap3A_384], %swap3A_387 {strides = array<i32>} : memref<32x32xf32, #tpu.memory_space<vmem>>, vector<1x16xf32>,
    %get3A_388 = arith.constant 11 : i32
    %get3A_389 = arith.index_cast %get3A_388 : i32 to index
    %get3A_390 = arith.constant 0 : index
    %get3A_391 = tpu.vector_load %arg12[%get3A_389, %get3A_390] {strides = array<i32>} : memref<32x32xf32, #tpu.memory_space<vmem>>, vector<1x16xf32>,
    %get3A_392 = vector.shape_cast %get3A_391 : vector<1x16xf32> to vector<16xf32>
    %get3A_393 = arith.constant 11 : i32
    %get3A_394 = arith.index_cast %get3A_393 : i32 to index
    %get3A_395 = arith.constant 0 : index
    %get3A_396 = tpu.vector_load %arg13[%get3A_394, %get3A_395] {strides = array<i32>} : memref<32x32xf32, #tpu.memory_space<vmem>>, vector<1x16xf32>,
    %get3A_397 = vector.shape_cast %get3A_396 : vector<1x16xf32> to vector<16xf32>
    %mul3A_398 = arith.mulf %get3A_392, %get3A_397 : vector<16xf32>
    %swap3A_399 = arith.constant 11 : i32
    %swap3A_400 = arith.index_cast %swap3A_399 : i32 to index
    %swap3A_401 = arith.constant 0 : index
    %swap3A_402 = tpu.vector_load %arg12[%swap3A_400, %swap3A_401] {strides = array<i32>} : memref<32x32xf32, #tpu.memory_space<vmem>>, vector<1x16xf32>,
    %swap3A_403 = vector.shape_cast %swap3A_402 : vector<1x16xf32> to vector<16xf32>
    %swap3A_404 = vector.shape_cast %mul3A_398 : vector<16xf32> to vector<1x16xf32>
    tpu.vector_store %arg12[%swap3A_400, %swap3A_401], %swap3A_404 {strides = array<i32>} : memref<32x32xf32, #tpu.memory_space<vmem>>, vector<1x16xf32>,
    %get3A_405 = arith.constant 11 : i32
    %get3A_406 = arith.index_cast %get3A_405 : i32 to index
    %get3A_407 = arith.constant 16 : index
    %get3A_408 = tpu.vector_load %arg12[%get3A_406, %get3A_407] {strides = array<i32>} : memref<32x32xf32, #tpu.memory_space<vmem>>, vector<1x16xf32>,
    %get3A_409 = vector.shape_cast %get3A_408 : vector<1x16xf32> to vector<16xf32>
    %get3A_410 = arith.constant 11 : i32
    %get3A_411 = arith.index_cast %get3A_410 : i32 to index
    %get3A_412 = arith.constant 16 : index
    %get3A_413 = tpu.vector_load %arg13[%get3A_411, %get3A_412] {strides = array<i32>} : memref<32x32xf32, #tpu.memory_space<vmem>>, vector<1x16xf32>,
    %get3A_414 = vector.shape_cast %get3A_413 : vector<1x16xf32> to vector<16xf32>
    %mul3A_415 = arith.mulf %get3A_409, %get3A_414 : vector<16xf32>
    %swap3A_416 = arith.constant 11 : i32
    %swap3A_417 = arith.index_cast %swap3A_416 : i32 to index
    %swap3A_418 = arith.constant 16 : index
    %swap3A_419 = tpu.vector_load %arg12[%swap3A_417, %swap3A_418] {strides = array<i32>} : memref<32x32xf32, #tpu.memory_space<vmem>>, vector<1x16xf32>,
    %swap3A_420 = vector.shape_cast %swap3A_419 : vector<1x16xf32> to vector<16xf32>
    %swap3A_421 = vector.shape_cast %mul3A_415 : vector<16xf32> to vector<1x16xf32>
    tpu.vector_store %arg12[%swap3A_417, %swap3A_418], %swap3A_421 {strides = array<i32>} : memref<32x32xf32, #tpu.memory_space<vmem>>, vector<1x16xf32>,
    %get3A_422 = arith.constant 12 : i32
    %get3A_423 = arith.index_cast %get3A_422 : i32 to index
    %get3A_424 = arith.constant 0 : index
    %get3A_425 = tpu.vector_load %arg12[%get3A_423, %get3A_424] {strides = array<i32>} : memref<32x32xf32, #tpu.memory_space<vmem>>, vector<1x16xf32>,
    %get3A_426 = vector.shape_cast %get3A_425 : vector<1x16xf32> to vector<16xf32>
    %get3A_427 = arith.constant 12 : i32
    %get3A_428 = arith.index_cast %get3A_427 : i32 to index
    %get3A_429 = arith.constant 0 : index
    %get3A_430 = tpu.vector_load %arg13[%get3A_428, %get3A_429] {strides = array<i32>} : memref<32x32xf32, #tpu.memory_space<vmem>>, vector<1x16xf32>,
    %get3A_431 = vector.shape_cast %get3A_430 : vector<1x16xf32> to vector<16xf32>
    %mul3A_432 = arith.mulf %get3A_426, %get3A_431 : vector<16xf32>
    %swap3A_433 = arith.constant 12 : i32
    %swap3A_434 = arith.index_cast %swap3A_433 : i32 to index
    %swap3A_435 = arith.constant 0 : index
    %swap3A_436 = tpu.vector_load %arg12[%swap3A_434, %swap3A_435] {strides = array<i32>} : memref<32x32xf32, #tpu.memory_space<vmem>>, vector<1x16xf32>,
    %swap3A_437 = vector.shape_cast %swap3A_436 : vector<1x16xf32> to vector<16xf32>
    %swap3A_438 = vector.shape_cast %mul3A_432 : vector<16xf32> to vector<1x16xf32>
    tpu.vector_store %arg12[%swap3A_434, %swap3A_435], %swap3A_438 {strides = array<i32>} : memref<32x32xf32, #tpu.memory_space<vmem>>, vector<1x16xf32>,
    %get3A_439 = arith.constant 12 : i32
    %get3A_440 = arith.index_cast %get3A_439 : i32 to index
    %get3A_441 = arith.constant 16 : index
    %get3A_442 = tpu.vector_load %arg12[%get3A_440, %get3A_441] {strides = array<i32>} : memref<32x32xf32, #tpu.memory_space<vmem>>, vector<1x16xf32>,
    %get3A_443 = vector.shape_cast %get3A_442 : vector<1x16xf32> to vector<16xf32>
    %get3A_444 = arith.constant 12 : i32
    %get3A_445 = arith.index_cast %get3A_444 : i32 to index
    %get3A_446 = arith.constant 16 : index
    %get3A_447 = tpu.vector_load %arg13[%get3A_445, %get3A_446] {strides = array<i32>} : memref<32x32xf32, #tpu.memory_space<vmem>>, vector<1x16xf32>,
    %get3A_448 = vector.shape_cast %get3A_447 : vector<1x16xf32> to vector<16xf32>
    %mul3A_449 = arith.mulf %get3A_443, %get3A_448 : vector<16xf32>
    %swap3A_450 = arith.constant 12 : i32
    %swap3A_451 = arith.index_cast %swap3A_450 : i32 to index
    %swap3A_452 = arith.constant 16 : index
    %swap3A_453 = tpu.vector_load %arg12[%swap3A_451, %swap3A_452] {strides = array<i32>} : memref<32x32xf32, #tpu.memory_space<vmem>>, vector<1x16xf32>,
    %swap3A_454 = vector.shape_cast %swap3A_453 : vector<1x16xf32> to vector<16xf32>
    %swap3A_455 = vector.shape_cast %mul3A_449 : vector<16xf32> to vector<1x16xf32>
    tpu.vector_store %arg12[%swap3A_451, %swap3A_452], %swap3A_455 {strides = array<i32>} : memref<32x32xf32, #tpu.memory_space<vmem>>, vector<1x16xf32>,
    %get3A_456 = arith.constant 13 : i32
    %get3A_457 = arith.index_cast %get3A_456 : i32 to index
    %get3A_458 = arith.constant 0 : index
    %get3A_459 = tpu.vector_load %arg12[%get3A_457, %get3A_458] {strides = array<i32>} : memref<32x32xf32, #tpu.memory_space<vmem>>, vector<1x16xf32>,
    %get3A_460 = vector.shape_cast %get3A_459 : vector<1x16xf32> to vector<16xf32>
    %get3A_461 = arith.constant 13 : i32
    %get3A_462 = arith.index_cast %get3A_461 : i32 to index
    %get3A_463 = arith.constant 0 : index
    %get3A_464 = tpu.vector_load %arg13[%get3A_462, %get3A_463] {strides = array<i32>} : memref<32x32xf32, #tpu.memory_space<vmem>>, vector<1x16xf32>,
    %get3A_465 = vector.shape_cast %get3A_464 : vector<1x16xf32> to vector<16xf32>
    %mul3A_466 = arith.mulf %get3A_460, %get3A_465 : vector<16xf32>
    %swap3A_467 = arith.constant 13 : i32
    %swap3A_468 = arith.index_cast %swap3A_467 : i32 to index
    %swap3A_469 = arith.constant 0 : index
    %swap3A_470 = tpu.vector_load %arg12[%swap3A_468, %swap3A_469] {strides = array<i32>} : memref<32x32xf32, #tpu.memory_space<vmem>>, vector<1x16xf32>,
    %swap3A_471 = vector.shape_cast %swap3A_470 : vector<1x16xf32> to vector<16xf32>
    %swap3A_472 = vector.shape_cast %mul3A_466 : vector<16xf32> to vector<1x16xf32>
    tpu.vector_store %arg12[%swap3A_468, %swap3A_469], %swap3A_472 {strides = array<i32>} : memref<32x32xf32, #tpu.memory_space<vmem>>, vector<1x16xf32>,
    %get3A_473 = arith.constant 13 : i32
    %get3A_474 = arith.index_cast %get3A_473 : i32 to index
    %get3A_475 = arith.constant 16 : index
    %get3A_476 = tpu.vector_load %arg12[%get3A_474, %get3A_475] {strides = array<i32>} : memref<32x32xf32, #tpu.memory_space<vmem>>, vector<1x16xf32>,
    %get3A_477 = vector.shape_cast %get3A_476 : vector<1x16xf32> to vector<16xf32>
    %get3A_478 = arith.constant 13 : i32
    %get3A_479 = arith.index_cast %get3A_478 : i32 to index
    %get3A_480 = arith.constant 16 : index
    %get3A_481 = tpu.vector_load %arg13[%get3A_479, %get3A_480] {strides = array<i32>} : memref<32x32xf32, #tpu.memory_space<vmem>>, vector<1x16xf32>,
    %get3A_482 = vector.shape_cast %get3A_481 : vector<1x16xf32> to vector<16xf32>
    %mul3A_483 = arith.mulf %get3A_477, %get3A_482 : vector<16xf32>
    %swap3A_484 = arith.constant 13 : i32
    %swap3A_485 = arith.index_cast %swap3A_484 : i32 to index
    %swap3A_486 = arith.constant 16 : index
    %swap3A_487 = tpu.vector_load %arg12[%swap3A_485, %swap3A_486] {strides = array<i32>} : memref<32x32xf32, #tpu.memory_space<vmem>>, vector<1x16xf32>,
    %swap3A_488 = vector.shape_cast %swap3A_487 : vector<1x16xf32> to vector<16xf32>
    %swap3A_489 = vector.shape_cast %mul3A_483 : vector<16xf32> to vector<1x16xf32>
    tpu.vector_store %arg12[%swap3A_485, %swap3A_486], %swap3A_489 {strides = array<i32>} : memref<32x32xf32, #tpu.memory_space<vmem>>, vector<1x16xf32>,
    %get3A_490 = arith.constant 14 : i32
    %get3A_491 = arith.index_cast %get3A_490 : i32 to index
    %get3A_492 = arith.constant 0 : index
    %get3A_493 = tpu.vector_load %arg12[%get3A_491, %get3A_492] {strides = array<i32>} : memref<32x32xf32, #tpu.memory_space<vmem>>, vector<1x16xf32>,
    %get3A_494 = vector.shape_cast %get3A_493 : vector<1x16xf32> to vector<16xf32>
    %get3A_495 = arith.constant 14 : i32
    %get3A_496 = arith.index_cast %get3A_495 : i32 to index
    %get3A_497 = arith.constant 0 : index
    %get3A_498 = tpu.vector_load %arg13[%get3A_496, %get3A_497] {strides = array<i32>} : memref<32x32xf32, #tpu.memory_space<vmem>>, vector<1x16xf32>,
    %get3A_499 = vector.shape_cast %get3A_498 : vector<1x16xf32> to vector<16xf32>
    %mul3A_500 = arith.mulf %get3A_494, %get3A_499 : vector<16xf32>
    %swap3A_501 = arith.constant 14 : i32
    %swap3A_502 = arith.index_cast %swap3A_501 : i32 to index
    %swap3A_503 = arith.constant 0 : index
    %swap3A_504 = tpu.vector_load %arg12[%swap3A_502, %swap3A_503] {strides = array<i32>} : memref<32x32xf32, #tpu.memory_space<vmem>>, vector<1x16xf32>,
    %swap3A_505 = vector.shape_cast %swap3A_504 : vector<1x16xf32> to vector<16xf32>
    %swap3A_506 = vector.shape_cast %mul3A_500 : vector<16xf32> to vector<1x16xf32>
    tpu.vector_store %arg12[%swap3A_502, %swap3A_503], %swap3A_506 {strides = array<i32>} : memref<32x32xf32, #tpu.memory_space<vmem>>, vector<1x16xf32>,
    %get3A_507 = arith.constant 14 : i32
    %get3A_508 = arith.index_cast %get3A_507 : i32 to index
    %get3A_509 = arith.constant 16 : index
    %get3A_510 = tpu.vector_load %arg12[%get3A_508, %get3A_509] {strides = array<i32>} : memref<32x32xf32, #tpu.memory_space<vmem>>, vector<1x16xf32>,
    %get3A_511 = vector.shape_cast %get3A_510 : vector<1x16xf32> to vector<16xf32>
    %get3A_512 = arith.constant 14 : i32
    %get3A_513 = arith.index_cast %get3A_512 : i32 to index
    %get3A_514 = arith.constant 16 : index
    %get3A_515 = tpu.vector_load %arg13[%get3A_513, %get3A_514] {strides = array<i32>} : memref<32x32xf32, #tpu.memory_space<vmem>>, vector<1x16xf32>,
    %get3A_516 = vector.shape_cast %get3A_515 : vector<1x16xf32> to vector<16xf32>
    %mul3A_517 = arith.mulf %get3A_511, %get3A_516 : vector<16xf32>
    %swap3A_518 = arith.constant 14 : i32
    %swap3A_519 = arith.index_cast %swap3A_518 : i32 to index
    %swap3A_520 = arith.constant 16 : index
    %swap3A_521 = tpu.vector_load %arg12[%swap3A_519, %swap3A_520] {strides = array<i32>} : memref<32x32xf32, #tpu.memory_space<vmem>>, vector<1x16xf32>,
    %swap3A_522 = vector.shape_cast %swap3A_521 : vector<1x16xf32> to vector<16xf32>
    %swap3A_523 = vector.shape_cast %mul3A_517 : vector<16xf32> to vector<1x16xf32>
    tpu.vector_store %arg12[%swap3A_519, %swap3A_520], %swap3A_523 {strides = array<i32>} : memref<32x32xf32, #tpu.memory_space<vmem>>, vector<1x16xf32>,
    %get3A_524 = arith.constant 15 : i32
    %get3A_525 = arith.index_cast %get3A_524 : i32 to index
    %get3A_526 = arith.constant 0 : index
    %get3A_527 = tpu.vector_load %arg12[%get3A_525, %get3A_526] {strides = array<i32>} : memref<32x32xf32, #tpu.memory_space<vmem>>, vector<1x16xf32>,
    %get3A_528 = vector.shape_cast %get3A_527 : vector<1x16xf32> to vector<16xf32>
    %get3A_529 = arith.constant 15 : i32
    %get3A_530 = arith.index_cast %get3A_529 : i32 to index
    %get3A_531 = arith.constant 0 : index
    %get3A_532 = tpu.vector_load %arg13[%get3A_530, %get3A_531] {strides = array<i32>} : memref<32x32xf32, #tpu.memory_space<vmem>>, vector<1x16xf32>,
    %get3A_533 = vector.shape_cast %get3A_532 : vector<1x16xf32> to vector<16xf32>
    %mul3A_534 = arith.mulf %get3A_528, %get3A_533 : vector<16xf32>
    %swap3A_535 = arith.constant 15 : i32
    %swap3A_536 = arith.index_cast %swap3A_535 : i32 to index
    %swap3A_537 = arith.constant 0 : index
    %swap3A_538 = tpu.vector_load %arg12[%swap3A_536, %swap3A_537] {strides = array<i32>} : memref<32x32xf32, #tpu.memory_space<vmem>>, vector<1x16xf32>,
    %swap3A_539 = vector.shape_cast %swap3A_538 : vector<1x16xf32> to vector<16xf32>
    %swap3A_540 = vector.shape_cast %mul3A_534 : vector<16xf32> to vector<1x16xf32>
    tpu.vector_store %arg12[%swap3A_536, %swap3A_537], %swap3A_540 {strides = array<i32>} : memref<32x32xf32, #tpu.memory_space<vmem>>, vector<1x16xf32>,
    %get3A_541 = arith.constant 15 : i32
    %get3A_542 = arith.index_cast %get3A_541 : i32 to index
    %get3A_543 = arith.constant 16 : index
    %get3A_544 = tpu.vector_load %arg12[%get3A_542, %get3A_543] {strides = array<i32>} : memref<32x32xf32, #tpu.memory_space<vmem>>, vector<1x16xf32>,
    %get3A_545 = vector.shape_cast %get3A_544 : vector<1x16xf32> to vector<16xf32>
    %get3A_546 = arith.constant 15 : i32
    %get3A_547 = arith.index_cast %get3A_546 : i32 to index
    %get3A_548 = arith.constant 16 : index
    %get3A_549 = tpu.vector_load %arg13[%get3A_547, %get3A_548] {strides = array<i32>} : memref<32x32xf32, #tpu.memory_space<vmem>>, vector<1x16xf32>,
    %get3A_550 = vector.shape_cast %get3A_549 : vector<1x16xf32> to vector<16xf32>
    %mul3A_551 = arith.mulf %get3A_545, %get3A_550 : vector<16xf32>
    %swap3A_552 = arith.constant 15 : i32
    %swap3A_553 = arith.index_cast %swap3A_552 : i32 to index
    %swap3A_554 = arith.constant 16 : index
    %swap3A_555 = tpu.vector_load %arg12[%swap3A_553, %swap3A_554] {strides = array<i32>} : memref<32x32xf32, #tpu.memory_space<vmem>>, vector<1x16xf32>,
    %swap3A_556 = vector.shape_cast %swap3A_555 : vector<1x16xf32> to vector<16xf32>
    %swap3A_557 = vector.shape_cast %mul3A_551 : vector<16xf32> to vector<1x16xf32>
    tpu.vector_store %arg12[%swap3A_553, %swap3A_554], %swap3A_557 {strides = array<i32>} : memref<32x32xf32, #tpu.memory_space<vmem>>, vector<1x16xf32>,
    %get3A_558 = arith.constant 16 : i32
    %get3A_559 = arith.index_cast %get3A_558 : i32 to index
    %get3A_560 = arith.constant 0 : index
    %get3A_561 = tpu.vector_load %arg12[%get3A_559, %get3A_560] {strides = array<i32>} : memref<32x32xf32, #tpu.memory_space<vmem>>, vector<1x16xf32>,
    %get3A_562 = vector.shape_cast %get3A_561 : vector<1x16xf32> to vector<16xf32>
    %get3A_563 = arith.constant 16 : i32
    %get3A_564 = arith.index_cast %get3A_563 : i32 to index
    %get3A_565 = arith.constant 0 : index
    %get3A_566 = tpu.vector_load %arg13[%get3A_564, %get3A_565] {strides = array<i32>} : memref<32x32xf32, #tpu.memory_space<vmem>>, vector<1x16xf32>,
    %get3A_567 = vector.shape_cast %get3A_566 : vector<1x16xf32> to vector<16xf32>
    %mul3A_568 = arith.mulf %get3A_562, %get3A_567 : vector<16xf32>
    %swap3A_569 = arith.constant 16 : i32
    %swap3A_570 = arith.index_cast %swap3A_569 : i32 to index
    %swap3A_571 = arith.constant 0 : index
    %swap3A_572 = tpu.vector_load %arg12[%swap3A_570, %swap3A_571] {strides = array<i32>} : memref<32x32xf32, #tpu.memory_space<vmem>>, vector<1x16xf32>,
    %swap3A_573 = vector.shape_cast %swap3A_572 : vector<1x16xf32> to vector<16xf32>
    %swap3A_574 = vector.shape_cast %mul3A_568 : vector<16xf32> to vector<1x16xf32>
    tpu.vector_store %arg12[%swap3A_570, %swap3A_571], %swap3A_574 {strides = array<i32>} : memref<32x32xf32, #tpu.memory_space<vmem>>, vector<1x16xf32>,
    %get3A_575 = arith.constant 16 : i32
    %get3A_576 = arith.index_cast %get3A_575 : i32 to index
    %get3A_577 = arith.constant 16 : index
    %get3A_578 = tpu.vector_load %arg12[%get3A_576, %get3A_577] {strides = array<i32>} : memref<32x32xf32, #tpu.memory_space<vmem>>, vector<1x16xf32>,
    %get3A_579 = vector.shape_cast %get3A_578 : vector<1x16xf32> to vector<16xf32>
    %get3A_580 = arith.constant 16 : i32
    %get3A_581 = arith.index_cast %get3A_580 : i32 to index
    %get3A_582 = arith.constant 16 : index
    %get3A_583 = tpu.vector_load %arg13[%get3A_581, %get3A_582] {strides = array<i32>} : memref<32x32xf32, #tpu.memory_space<vmem>>, vector<1x16xf32>,
    %get3A_584 = vector.shape_cast %get3A_583 : vector<1x16xf32> to vector<16xf32>
    %mul3A_585 = arith.mulf %get3A_579, %get3A_584 : vector<16xf32>
    %swap3A_586 = arith.constant 16 : i32
    %swap3A_587 = arith.index_cast %swap3A_586 : i32 to index
    %swap3A_588 = arith.constant 16 : index
    %swap3A_589 = tpu.vector_load %arg12[%swap3A_587, %swap3A_588] {strides = array<i32>} : memref<32x32xf32, #tpu.memory_space<vmem>>, vector<1x16xf32>,
    %swap3A_590 = vector.shape_cast %swap3A_589 : vector<1x16xf32> to vector<16xf32>
    %swap3A_591 = vector.shape_cast %mul3A_585 : vector<16xf32> to vector<1x16xf32>
    tpu.vector_store %arg12[%swap3A_587, %swap3A_588], %swap3A_591 {strides = array<i32>} : memref<32x32xf32, #tpu.memory_space<vmem>>, vector<1x16xf32>,
    %get3A_592 = arith.constant 17 : i32
    %get3A_593 = arith.index_cast %get3A_592 : i32 to index
    %get3A_594 = arith.constant 0 : index
    %get3A_595 = tpu.vector_load %arg12[%get3A_593, %get3A_594] {strides = array<i32>} : memref<32x32xf32, #tpu.memory_space<vmem>>, vector<1x16xf32>,
    %get3A_596 = vector.shape_cast %get3A_595 : vector<1x16xf32> to vector<16xf32>
    %get3A_597 = arith.constant 17 : i32
    %get3A_598 = arith.index_cast %get3A_597 : i32 to index
    %get3A_599 = arith.constant 0 : index
    %get3A_600 = tpu.vector_load %arg13[%get3A_598, %get3A_599] {strides = array<i32>} : memref<32x32xf32, #tpu.memory_space<vmem>>, vector<1x16xf32>,
    %get3A_601 = vector.shape_cast %get3A_600 : vector<1x16xf32> to vector<16xf32>
    %mul3A_602 = arith.mulf %get3A_596, %get3A_601 : vector<16xf32>
    %swap3A_603 = arith.constant 17 : i32
    %swap3A_604 = arith.index_cast %swap3A_603 : i32 to index
    %swap3A_605 = arith.constant 0 : index
    %swap3A_606 = tpu.vector_load %arg12[%swap3A_604, %swap3A_605] {strides = array<i32>} : memref<32x32xf32, #tpu.memory_space<vmem>>, vector<1x16xf32>,
    %swap3A_607 = vector.shape_cast %swap3A_606 : vector<1x16xf32> to vector<16xf32>
    %swap3A_608 = vector.shape_cast %mul3A_602 : vector<16xf32> to vector<1x16xf32>
    tpu.vector_store %arg12[%swap3A_604, %swap3A_605], %swap3A_608 {strides = array<i32>} : memref<32x32xf32, #tpu.memory_space<vmem>>, vector<1x16xf32>,
    %get3A_609 = arith.constant 17 : i32
    %get3A_610 = arith.index_cast %get3A_609 : i32 to index
    %get3A_611 = arith.constant 16 : index
    %get3A_612 = tpu.vector_load %arg12[%get3A_610, %get3A_611] {strides = array<i32>} : memref<32x32xf32, #tpu.memory_space<vmem>>, vector<1x16xf32>,
    %get3A_613 = vector.shape_cast %get3A_612 : vector<1x16xf32> to vector<16xf32>
    %get3A_614 = arith.constant 17 : i32
    %get3A_615 = arith.index_cast %get3A_614 : i32 to index
    %get3A_616 = arith.constant 16 : index
    %get3A_617 = tpu.vector_load %arg13[%get3A_615, %get3A_616] {strides = array<i32>} : memref<32x32xf32, #tpu.memory_space<vmem>>, vector<1x16xf32>,
    %get3A_618 = vector.shape_cast %get3A_617 : vector<1x16xf32> to vector<16xf32>
    %mul3A_619 = arith.mulf %get3A_613, %get3A_618 : vector<16xf32>
    %swap3A_620 = arith.constant 17 : i32
    %swap3A_621 = arith.index_cast %swap3A_620 : i32 to index
    %swap3A_622 = arith.constant 16 : index
    %swap3A_623 = tpu.vector_load %arg12[%swap3A_621, %swap3A_622] {strides = array<i32>} : memref<32x32xf32, #tpu.memory_space<vmem>>, vector<1x16xf32>,
    %swap3A_624 = vector.shape_cast %swap3A_623 : vector<1x16xf32> to vector<16xf32>
    %swap3A_625 = vector.shape_cast %mul3A_619 : vector<16xf32> to vector<1x16xf32>
    tpu.vector_store %arg12[%swap3A_621, %swap3A_622], %swap3A_625 {strides = array<i32>} : memref<32x32xf32, #tpu.memory_space<vmem>>, vector<1x16xf32>,
    %get3A_626 = arith.constant 18 : i32
    %get3A_627 = arith.index_cast %get3A_626 : i32 to index
    %get3A_628 = arith.constant 0 : index
    %get3A_629 = tpu.vector_load %arg12[%get3A_627, %get3A_628] {strides = array<i32>} : memref<32x32xf32, #tpu.memory_space<vmem>>, vector<1x16xf32>,
    %get3A_630 = vector.shape_cast %get3A_629 : vector<1x16xf32> to vector<16xf32>
    %get3A_631 = arith.constant 18 : i32
    %get3A_632 = arith.index_cast %get3A_631 : i32 to index
    %get3A_633 = arith.constant 0 : index
    %get3A_634 = tpu.vector_load %arg13[%get3A_632, %get3A_633] {strides = array<i32>} : memref<32x32xf32, #tpu.memory_space<vmem>>, vector<1x16xf32>,
    %get3A_635 = vector.shape_cast %get3A_634 : vector<1x16xf32> to vector<16xf32>
    %mul3A_636 = arith.mulf %get3A_630, %get3A_635 : vector<16xf32>
    %swap3A_637 = arith.constant 18 : i32
    %swap3A_638 = arith.index_cast %swap3A_637 : i32 to index
    %swap3A_639 = arith.constant 0 : index
    %swap3A_640 = tpu.vector_load %arg12[%swap3A_638, %swap3A_639] {strides = array<i32>} : memref<32x32xf32, #tpu.memory_space<vmem>>, vector<1x16xf32>,
    %swap3A_641 = vector.shape_cast %swap3A_640 : vector<1x16xf32> to vector<16xf32>
    %swap3A_642 = vector.shape_cast %mul3A_636 : vector<16xf32> to vector<1x16xf32>
    tpu.vector_store %arg12[%swap3A_638, %swap3A_639], %swap3A_642 {strides = array<i32>} : memref<32x32xf32, #tpu.memory_space<vmem>>, vector<1x16xf32>,
    %get3A_643 = arith.constant 18 : i32
    %get3A_644 = arith.index_cast %get3A_643 : i32 to index
    %get3A_645 = arith.constant 16 : index
    %get3A_646 = tpu.vector_load %arg12[%get3A_644, %get3A_645] {strides = array<i32>} : memref<32x32xf32, #tpu.memory_space<vmem>>, vector<1x16xf32>,
    %get3A_647 = vector.shape_cast %get3A_646 : vector<1x16xf32> to vector<16xf32>
    %get3A_648 = arith.constant 18 : i32
    %get3A_649 = arith.index_cast %get3A_648 : i32 to index
    %get3A_650 = arith.constant 16 : index
    %get3A_651 = tpu.vector_load %arg13[%get3A_649, %get3A_650] {strides = array<i32>} : memref<32x32xf32, #tpu.memory_space<vmem>>, vector<1x16xf32>,
    %get3A_652 = vector.shape_cast %get3A_651 : vector<1x16xf32> to vector<16xf32>
    %mul3A_653 = arith.mulf %get3A_647, %get3A_652 : vector<16xf32>
    %swap3A_654 = arith.constant 18 : i32
    %swap3A_655 = arith.index_cast %swap3A_654 : i32 to index
    %swap3A_656 = arith.constant 16 : index
    %swap3A_657 = tpu.vector_load %arg12[%swap3A_655, %swap3A_656] {strides = array<i32>} : memref<32x32xf32, #tpu.memory_space<vmem>>, vector<1x16xf32>,
    %swap3A_658 = vector.shape_cast %swap3A_657 : vector<1x16xf32> to vector<16xf32>
    %swap3A_659 = vector.shape_cast %mul3A_653 : vector<16xf32> to vector<1x16xf32>
    tpu.vector_store %arg12[%swap3A_655, %swap3A_656], %swap3A_659 {strides = array<i32>} : memref<32x32xf32, #tpu.memory_space<vmem>>, vector<1x16xf32>,
    %get3A_660 = arith.constant 19 : i32
    %get3A_661 = arith.index_cast %get3A_660 : i32 to index
    %get3A_662 = arith.constant 0 : index
    %get3A_663 = tpu.vector_load %arg12[%get3A_661, %get3A_662] {strides = array<i32>} : memref<32x32xf32, #tpu.memory_space<vmem>>, vector<1x16xf32>,
    %get3A_664 = vector.shape_cast %get3A_663 : vector<1x16xf32> to vector<16xf32>
    %get3A_665 = arith.constant 19 : i32
    %get3A_666 = arith.index_cast %get3A_665 : i32 to index
    %get3A_667 = arith.constant 0 : index
    %get3A_668 = tpu.vector_load %arg13[%get3A_666, %get3A_667] {strides = array<i32>} : memref<32x32xf32, #tpu.memory_space<vmem>>, vector<1x16xf32>,
    %get3A_669 = vector.shape_cast %get3A_668 : vector<1x16xf32> to vector<16xf32>
    %mul3A_670 = arith.mulf %get3A_664, %get3A_669 : vector<16xf32>
    %swap3A_671 = arith.constant 19 : i32
    %swap3A_672 = arith.index_cast %swap3A_671 : i32 to index
    %swap3A_673 = arith.constant 0 : index
    %swap3A_674 = tpu.vector_load %arg12[%swap3A_672, %swap3A_673] {strides = array<i32>} : memref<32x32xf32, #tpu.memory_space<vmem>>, vector<1x16xf32>,
    %swap3A_675 = vector.shape_cast %swap3A_674 : vector<1x16xf32> to vector<16xf32>
    %swap3A_676 = vector.shape_cast %mul3A_670 : vector<16xf32> to vector<1x16xf32>
    tpu.vector_store %arg12[%swap3A_672, %swap3A_673], %swap3A_676 {strides = array<i32>} : memref<32x32xf32, #tpu.memory_space<vmem>>, vector<1x16xf32>,
    %get3A_677 = arith.constant 19 : i32
    %get3A_678 = arith.index_cast %get3A_677 : i32 to index
    %get3A_679 = arith.constant 16 : index
    %get3A_680 = tpu.vector_load %arg12[%get3A_678, %get3A_679] {strides = array<i32>} : memref<32x32xf32, #tpu.memory_space<vmem>>, vector<1x16xf32>,
    %get3A_681 = vector.shape_cast %get3A_680 : vector<1x16xf32> to vector<16xf32>
    %get3A_682 = arith.constant 19 : i32
    %get3A_683 = arith.index_cast %get3A_682 : i32 to index
    %get3A_684 = arith.constant 16 : index
    %get3A_685 = tpu.vector_load %arg13[%get3A_683, %get3A_684] {strides = array<i32>} : memref<32x32xf32, #tpu.memory_space<vmem>>, vector<1x16xf32>,
    %get3A_686 = vector.shape_cast %get3A_685 : vector<1x16xf32> to vector<16xf32>
    %mul3A_687 = arith.mulf %get3A_681, %get3A_686 : vector<16xf32>
    %swap3A_688 = arith.constant 19 : i32
    %swap3A_689 = arith.index_cast %swap3A_688 : i32 to index
    %swap3A_690 = arith.constant 16 : index
    %swap3A_691 = tpu.vector_load %arg12[%swap3A_689, %swap3A_690] {strides = array<i32>} : memref<32x32xf32, #tpu.memory_space<vmem>>, vector<1x16xf32>,
    %swap3A_692 = vector.shape_cast %swap3A_691 : vector<1x16xf32> to vector<16xf32>
    %swap3A_693 = vector.shape_cast %mul3A_687 : vector<16xf32> to vector<1x16xf32>
    tpu.vector_store %arg12[%swap3A_689, %swap3A_690], %swap3A_693 {strides = array<i32>} : memref<32x32xf32, #tpu.memory_space<vmem>>, vector<1x16xf32>,
    %get3A_694 = arith.constant 20 : i32
    %get3A_695 = arith.index_cast %get3A_694 : i32 to index
    %get3A_696 = arith.constant 0 : index
    %get3A_697 = tpu.vector_load %arg12[%get3A_695, %get3A_696] {strides = array<i32>} : memref<32x32xf32, #tpu.memory_space<vmem>>, vector<1x16xf32>,
    %get3A_698 = vector.shape_cast %get3A_697 : vector<1x16xf32> to vector<16xf32>
    %get3A_699 = arith.constant 20 : i32
    %get3A_700 = arith.index_cast %get3A_699 : i32 to index
    %get3A_701 = arith.constant 0 : index
    %get3A_702 = tpu.vector_load %arg13[%get3A_700, %get3A_701] {strides = array<i32>} : memref<32x32xf32, #tpu.memory_space<vmem>>, vector<1x16xf32>,
    %get3A_703 = vector.shape_cast %get3A_702 : vector<1x16xf32> to vector<16xf32>
    %mul3A_704 = arith.mulf %get3A_698, %get3A_703 : vector<16xf32>
    %swap3A_705 = arith.constant 20 : i32
    %swap3A_706 = arith.index_cast %swap3A_705 : i32 to index
    %swap3A_707 = arith.constant 0 : index
    %swap3A_708 = tpu.vector_load %arg12[%swap3A_706, %swap3A_707] {strides = array<i32>} : memref<32x32xf32, #tpu.memory_space<vmem>>, vector<1x16xf32>,
    %swap3A_709 = vector.shape_cast %swap3A_708 : vector<1x16xf32> to vector<16xf32>
    %swap3A_710 = vector.shape_cast %mul3A_704 : vector<16xf32> to vector<1x16xf32>
    tpu.vector_store %arg12[%swap3A_706, %swap3A_707], %swap3A_710 {strides = array<i32>} : memref<32x32xf32, #tpu.memory_space<vmem>>, vector<1x16xf32>,
    %get3A_711 = arith.constant 20 : i32
    %get3A_712 = arith.index_cast %get3A_711 : i32 to index
    %get3A_713 = arith.constant 16 : index
    %get3A_714 = tpu.vector_load %arg12[%get3A_712, %get3A_713] {strides = array<i32>} : memref<32x32xf32, #tpu.memory_space<vmem>>, vector<1x16xf32>,
    %get3A_715 = vector.shape_cast %get3A_714 : vector<1x16xf32> to vector<16xf32>
    %get3A_716 = arith.constant 20 : i32
    %get3A_717 = arith.index_cast %get3A_716 : i32 to index
    %get3A_718 = arith.constant 16 : index
    %get3A_719 = tpu.vector_load %arg13[%get3A_717, %get3A_718] {strides = array<i32>} : memref<32x32xf32, #tpu.memory_space<vmem>>, vector<1x16xf32>,
    %get3A_720 = vector.shape_cast %get3A_719 : vector<1x16xf32> to vector<16xf32>
    %mul3A_721 = arith.mulf %get3A_715, %get3A_720 : vector<16xf32>
    %swap3A_722 = arith.constant 20 : i32
    %swap3A_723 = arith.index_cast %swap3A_722 : i32 to index
    %swap3A_724 = arith.constant 16 : index
    %swap3A_725 = tpu.vector_load %arg12[%swap3A_723, %swap3A_724] {strides = array<i32>} : memref<32x32xf32, #tpu.memory_space<vmem>>, vector<1x16xf32>,
    %swap3A_726 = vector.shape_cast %swap3A_725 : vector<1x16xf32> to vector<16xf32>
    %swap3A_727 = vector.shape_cast %mul3A_721 : vector<16xf32> to vector<1x16xf32>
    tpu.vector_store %arg12[%swap3A_723, %swap3A_724], %swap3A_727 {strides = array<i32>} : memref<32x32xf32, #tpu.memory_space<vmem>>, vector<1x16xf32>,
    %get3A_728 = arith.constant 21 : i32
    %get3A_729 = arith.index_cast %get3A_728 : i32 to index
    %get3A_730 = arith.constant 0 : index
    %get3A_731 = tpu.vector_load %arg12[%get3A_729, %get3A_730] {strides = array<i32>} : memref<32x32xf32, #tpu.memory_space<vmem>>, vector<1x16xf32>,
    %get3A_732 = vector.shape_cast %get3A_731 : vector<1x16xf32> to vector<16xf32>
    %get3A_733 = arith.constant 21 : i32
    %get3A_734 = arith.index_cast %get3A_733 : i32 to index
    %get3A_735 = arith.constant 0 : index
    %get3A_736 = tpu.vector_load %arg13[%get3A_734, %get3A_735] {strides = array<i32>} : memref<32x32xf32, #tpu.memory_space<vmem>>, vector<1x16xf32>,
    %get3A_737 = vector.shape_cast %get3A_736 : vector<1x16xf32> to vector<16xf32>
    %mul3A_738 = arith.mulf %get3A_732, %get3A_737 : vector<16xf32>
    %swap3A_739 = arith.constant 21 : i32
    %swap3A_740 = arith.index_cast %swap3A_739 : i32 to index
    %swap3A_741 = arith.constant 0 : index
    %swap3A_742 = tpu.vector_load %arg12[%swap3A_740, %swap3A_741] {strides = array<i32>} : memref<32x32xf32, #tpu.memory_space<vmem>>, vector<1x16xf32>,
    %swap3A_743 = vector.shape_cast %swap3A_742 : vector<1x16xf32> to vector<16xf32>
    %swap3A_744 = vector.shape_cast %mul3A_738 : vector<16xf32> to vector<1x16xf32>
    tpu.vector_store %arg12[%swap3A_740, %swap3A_741], %swap3A_744 {strides = array<i32>} : memref<32x32xf32, #tpu.memory_space<vmem>>, vector<1x16xf32>,
    %get3A_745 = arith.constant 21 : i32
    %get3A_746 = arith.index_cast %get3A_745 : i32 to index
    %get3A_747 = arith.constant 16 : index
    %get3A_748 = tpu.vector_load %arg12[%get3A_746, %get3A_747] {strides = array<i32>} : memref<32x32xf32, #tpu.memory_space<vmem>>, vector<1x16xf32>,
    %get3A_749 = vector.shape_cast %get3A_748 : vector<1x16xf32> to vector<16xf32>
    %get3A_750 = arith.constant 21 : i32
    %get3A_751 = arith.index_cast %get3A_750 : i32 to index
    %get3A_752 = arith.constant 16 : index
    %get3A_753 = tpu.vector_load %arg13[%get3A_751, %get3A_752] {strides = array<i32>} : memref<32x32xf32, #tpu.memory_space<vmem>>, vector<1x16xf32>,
    %get3A_754 = vector.shape_cast %get3A_753 : vector<1x16xf32> to vector<16xf32>
    %mul3A_755 = arith.mulf %get3A_749, %get3A_754 : vector<16xf32>
    %swap3A_756 = arith.constant 21 : i32
    %swap3A_757 = arith.index_cast %swap3A_756 : i32 to index
    %swap3A_758 = arith.constant 16 : index
    %swap3A_759 = tpu.vector_load %arg12[%swap3A_757, %swap3A_758] {strides = array<i32>} : memref<32x32xf32, #tpu.memory_space<vmem>>, vector<1x16xf32>,
    %swap3A_760 = vector.shape_cast %swap3A_759 : vector<1x16xf32> to vector<16xf32>
    %swap3A_761 = vector.shape_cast %mul3A_755 : vector<16xf32> to vector<1x16xf32>
    tpu.vector_store %arg12[%swap3A_757, %swap3A_758], %swap3A_761 {strides = array<i32>} : memref<32x32xf32, #tpu.memory_space<vmem>>, vector<1x16xf32>,
    %get3A_762 = arith.constant 22 : i32
    %get3A_763 = arith.index_cast %get3A_762 : i32 to index
    %get3A_764 = arith.constant 0 : index
    %get3A_765 = tpu.vector_load %arg12[%get3A_763, %get3A_764] {strides = array<i32>} : memref<32x32xf32, #tpu.memory_space<vmem>>, vector<1x16xf32>,
    %get3A_766 = vector.shape_cast %get3A_765 : vector<1x16xf32> to vector<16xf32>
    %get3A_767 = arith.constant 22 : i32
    %get3A_768 = arith.index_cast %get3A_767 : i32 to index
    %get3A_769 = arith.constant 0 : index
    %get3A_770 = tpu.vector_load %arg13[%get3A_768, %get3A_769] {strides = array<i32>} : memref<32x32xf32, #tpu.memory_space<vmem>>, vector<1x16xf32>,
    %get3A_771 = vector.shape_cast %get3A_770 : vector<1x16xf32> to vector<16xf32>
    %mul3A_772 = arith.mulf %get3A_766, %get3A_771 : vector<16xf32>
    %swap3A_773 = arith.constant 22 : i32
    %swap3A_774 = arith.index_cast %swap3A_773 : i32 to index
    %swap3A_775 = arith.constant 0 : index
    %swap3A_776 = tpu.vector_load %arg12[%swap3A_774, %swap3A_775] {strides = array<i32>} : memref<32x32xf32, #tpu.memory_space<vmem>>, vector<1x16xf32>,
    %swap3A_777 = vector.shape_cast %swap3A_776 : vector<1x16xf32> to vector<16xf32>
    %swap3A_778 = vector.shape_cast %mul3A_772 : vector<16xf32> to vector<1x16xf32>
    tpu.vector_store %arg12[%swap3A_774, %swap3A_775], %swap3A_778 {strides = array<i32>} : memref<32x32xf32, #tpu.memory_space<vmem>>, vector<1x16xf32>,
    %get3A_779 = arith.constant 22 : i32
    %get3A_780 = arith.index_cast %get3A_779 : i32 to index
    %get3A_781 = arith.constant 16 : index
    %get3A_782 = tpu.vector_load %arg12[%get3A_780, %get3A_781] {strides = array<i32>} : memref<32x32xf32, #tpu.memory_space<vmem>>, vector<1x16xf32>,
    %get3A_783 = vector.shape_cast %get3A_782 : vector<1x16xf32> to vector<16xf32>
    %get3A_784 = arith.constant 22 : i32
    %get3A_785 = arith.index_cast %get3A_784 : i32 to index
    %get3A_786 = arith.constant 16 : index
    %get3A_787 = tpu.vector_load %arg13[%get3A_785, %get3A_786] {strides = array<i32>} : memref<32x32xf32, #tpu.memory_space<vmem>>, vector<1x16xf32>,
    %get3A_788 = vector.shape_cast %get3A_787 : vector<1x16xf32> to vector<16xf32>
    %mul3A_789 = arith.mulf %get3A_783, %get3A_788 : vector<16xf32>
    %swap3A_790 = arith.constant 22 : i32
    %swap3A_791 = arith.index_cast %swap3A_790 : i32 to index
    %swap3A_792 = arith.constant 16 : index
    %swap3A_793 = tpu.vector_load %arg12[%swap3A_791, %swap3A_792] {strides = array<i32>} : memref<32x32xf32, #tpu.memory_space<vmem>>, vector<1x16xf32>,
    %swap3A_794 = vector.shape_cast %swap3A_793 : vector<1x16xf32> to vector<16xf32>
    %swap3A_795 = vector.shape_cast %mul3A_789 : vector<16xf32> to vector<1x16xf32>
    tpu.vector_store %arg12[%swap3A_791, %swap3A_792], %swap3A_795 {strides = array<i32>} : memref<32x32xf32, #tpu.memory_space<vmem>>, vector<1x16xf32>,
    %get3A_796 = arith.constant 23 : i32
    %get3A_797 = arith.index_cast %get3A_796 : i32 to index
    %get3A_798 = arith.constant 0 : index
    %get3A_799 = tpu.vector_load %arg12[%get3A_797, %get3A_798] {strides = array<i32>} : memref<32x32xf32, #tpu.memory_space<vmem>>, vector<1x16xf32>,
    %get3A_800 = vector.shape_cast %get3A_799 : vector<1x16xf32> to vector<16xf32>
    %get3A_801 = arith.constant 23 : i32
    %get3A_802 = arith.index_cast %get3A_801 : i32 to index
    %get3A_803 = arith.constant 0 : index
    %get3A_804 = tpu.vector_load %arg13[%get3A_802, %get3A_803] {strides = array<i32>} : memref<32x32xf32, #tpu.memory_space<vmem>>, vector<1x16xf32>,
    %get3A_805 = vector.shape_cast %get3A_804 : vector<1x16xf32> to vector<16xf32>
    %mul3A_806 = arith.mulf %get3A_800, %get3A_805 : vector<16xf32>
    %swap3A_807 = arith.constant 23 : i32
    %swap3A_808 = arith.index_cast %swap3A_807 : i32 to index
    %swap3A_809 = arith.constant 0 : index
    %swap3A_810 = tpu.vector_load %arg12[%swap3A_808, %swap3A_809] {strides = array<i32>} : memref<32x32xf32, #tpu.memory_space<vmem>>, vector<1x16xf32>,
    %swap3A_811 = vector.shape_cast %swap3A_810 : vector<1x16xf32> to vector<16xf32>
    %swap3A_812 = vector.shape_cast %mul3A_806 : vector<16xf32> to vector<1x16xf32>
    tpu.vector_store %arg12[%swap3A_808, %swap3A_809], %swap3A_812 {strides = array<i32>} : memref<32x32xf32, #tpu.memory_space<vmem>>, vector<1x16xf32>,
    %get3A_813 = arith.constant 23 : i32
    %get3A_814 = arith.index_cast %get3A_813 : i32 to index
    %get3A_815 = arith.constant 16 : index
    %get3A_816 = tpu.vector_load %arg12[%get3A_814, %get3A_815] {strides = array<i32>} : memref<32x32xf32, #tpu.memory_space<vmem>>, vector<1x16xf32>,
    %get3A_817 = vector.shape_cast %get3A_816 : vector<1x16xf32> to vector<16xf32>
    %get3A_818 = arith.constant 23 : i32
    %get3A_819 = arith.index_cast %get3A_818 : i32 to index
    %get3A_820 = arith.constant 16 : index
    %get3A_821 = tpu.vector_load %arg13[%get3A_819, %get3A_820] {strides = array<i32>} : memref<32x32xf32, #tpu.memory_space<vmem>>, vector<1x16xf32>,
    %get3A_822 = vector.shape_cast %get3A_821 : vector<1x16xf32> to vector<16xf32>
    %mul3A_823 = arith.mulf %get3A_817, %get3A_822 : vector<16xf32>
    %swap3A_824 = arith.constant 23 : i32
    %swap3A_825 = arith.index_cast %swap3A_824 : i32 to index
    %swap3A_826 = arith.constant 16 : index
    %swap3A_827 = tpu.vector_load %arg12[%swap3A_825, %swap3A_826] {strides = array<i32>} : memref<32x32xf32, #tpu.memory_space<vmem>>, vector<1x16xf32>,
    %swap3A_828 = vector.shape_cast %swap3A_827 : vector<1x16xf32> to vector<16xf32>
    %swap3A_829 = vector.shape_cast %mul3A_823 : vector<16xf32> to vector<1x16xf32>
    tpu.vector_store %arg12[%swap3A_825, %swap3A_826], %swap3A_829 {strides = array<i32>} : memref<32x32xf32, #tpu.memory_space<vmem>>, vector<1x16xf32>,
    %get3A_830 = arith.constant 24 : i32
    %get3A_831 = arith.index_cast %get3A_830 : i32 to index
    %get3A_832 = arith.constant 0 : index
    %get3A_833 = tpu.vector_load %arg12[%get3A_831, %get3A_832] {strides = array<i32>} : memref<32x32xf32, #tpu.memory_space<vmem>>, vector<1x16xf32>,
    %get3A_834 = vector.shape_cast %get3A_833 : vector<1x16xf32> to vector<16xf32>
    %get3A_835 = arith.constant 24 : i32
    %get3A_836 = arith.index_cast %get3A_835 : i32 to index
    %get3A_837 = arith.constant 0 : index
    %get3A_838 = tpu.vector_load %arg13[%get3A_836, %get3A_837] {strides = array<i32>} : memref<32x32xf32, #tpu.memory_space<vmem>>, vector<1x16xf32>,
    %get3A_839 = vector.shape_cast %get3A_838 : vector<1x16xf32> to vector<16xf32>
    %mul3A_840 = arith.mulf %get3A_834, %get3A_839 : vector<16xf32>
    %swap3A_841 = arith.constant 24 : i32
    %swap3A_842 = arith.index_cast %swap3A_841 : i32 to index
    %swap3A_843 = arith.constant 0 : index
    %swap3A_844 = tpu.vector_load %arg12[%swap3A_842, %swap3A_843] {strides = array<i32>} : memref<32x32xf32, #tpu.memory_space<vmem>>, vector<1x16xf32>,
    %swap3A_845 = vector.shape_cast %swap3A_844 : vector<1x16xf32> to vector<16xf32>
    %swap3A_846 = vector.shape_cast %mul3A_840 : vector<16xf32> to vector<1x16xf32>
    tpu.vector_store %arg12[%swap3A_842, %swap3A_843], %swap3A_846 {strides = array<i32>} : memref<32x32xf32, #tpu.memory_space<vmem>>, vector<1x16xf32>,
    %get3A_847 = arith.constant 24 : i32
    %get3A_848 = arith.index_cast %get3A_847 : i32 to index
    %get3A_849 = arith.constant 16 : index
    %get3A_850 = tpu.vector_load %arg12[%get3A_848, %get3A_849] {strides = array<i32>} : memref<32x32xf32, #tpu.memory_space<vmem>>, vector<1x16xf32>,
    %get3A_851 = vector.shape_cast %get3A_850 : vector<1x16xf32> to vector<16xf32>
    %get3A_852 = arith.constant 24 : i32
    %get3A_853 = arith.index_cast %get3A_852 : i32 to index
    %get3A_854 = arith.constant 16 : index
    %get3A_855 = tpu.vector_load %arg13[%get3A_853, %get3A_854] {strides = array<i32>} : memref<32x32xf32, #tpu.memory_space<vmem>>, vector<1x16xf32>,
    %get3A_856 = vector.shape_cast %get3A_855 : vector<1x16xf32> to vector<16xf32>
    %mul3A_857 = arith.mulf %get3A_851, %get3A_856 : vector<16xf32>
    %swap3A_858 = arith.constant 24 : i32
    %swap3A_859 = arith.index_cast %swap3A_858 : i32 to index
    %swap3A_860 = arith.constant 16 : index
    %swap3A_861 = tpu.vector_load %arg12[%swap3A_859, %swap3A_860] {strides = array<i32>} : memref<32x32xf32, #tpu.memory_space<vmem>>, vector<1x16xf32>,
    %swap3A_862 = vector.shape_cast %swap3A_861 : vector<1x16xf32> to vector<16xf32>
    %swap3A_863 = vector.shape_cast %mul3A_857 : vector<16xf32> to vector<1x16xf32>
    tpu.vector_store %arg12[%swap3A_859, %swap3A_860], %swap3A_863 {strides = array<i32>} : memref<32x32xf32, #tpu.memory_space<vmem>>, vector<1x16xf32>,
    %get3A_864 = arith.constant 25 : i32
    %get3A_865 = arith.index_cast %get3A_864 : i32 to index
    %get3A_866 = arith.constant 0 : index
    %get3A_867 = tpu.vector_load %arg12[%get3A_865, %get3A_866] {strides = array<i32>} : memref<32x32xf32, #tpu.memory_space<vmem>>, vector<1x16xf32>,
    %get3A_868 = vector.shape_cast %get3A_867 : vector<1x16xf32> to vector<16xf32>
    %get3A_869 = arith.constant 25 : i32
    %get3A_870 = arith.index_cast %get3A_869 : i32 to index
    %get3A_871 = arith.constant 0 : index
    %get3A_872 = tpu.vector_load %arg13[%get3A_870, %get3A_871] {strides = array<i32>} : memref<32x32xf32, #tpu.memory_space<vmem>>, vector<1x16xf32>,
    %get3A_873 = vector.shape_cast %get3A_872 : vector<1x16xf32> to vector<16xf32>
    %mul3A_874 = arith.mulf %get3A_868, %get3A_873 : vector<16xf32>
    %swap3A_875 = arith.constant 25 : i32
    %swap3A_876 = arith.index_cast %swap3A_875 : i32 to index
    %swap3A_877 = arith.constant 0 : index
    %swap3A_878 = tpu.vector_load %arg12[%swap3A_876, %swap3A_877] {strides = array<i32>} : memref<32x32xf32, #tpu.memory_space<vmem>>, vector<1x16xf32>,
    %swap3A_879 = vector.shape_cast %swap3A_878 : vector<1x16xf32> to vector<16xf32>
    %swap3A_880 = vector.shape_cast %mul3A_874 : vector<16xf32> to vector<1x16xf32>
    tpu.vector_store %arg12[%swap3A_876, %swap3A_877], %swap3A_880 {strides = array<i32>} : memref<32x32xf32, #tpu.memory_space<vmem>>, vector<1x16xf32>,
    %get3A_881 = arith.constant 25 : i32
    %get3A_882 = arith.index_cast %get3A_881 : i32 to index
    %get3A_883 = arith.constant 16 : index
    %get3A_884 = tpu.vector_load %arg12[%get3A_882, %get3A_883] {strides = array<i32>} : memref<32x32xf32, #tpu.memory_space<vmem>>, vector<1x16xf32>,
    %get3A_885 = vector.shape_cast %get3A_884 : vector<1x16xf32> to vector<16xf32>
    %get3A_886 = arith.constant 25 : i32
    %get3A_887 = arith.index_cast %get3A_886 : i32 to index
    %get3A_888 = arith.constant 16 : index
    %get3A_889 = tpu.vector_load %arg13[%get3A_887, %get3A_888] {strides = array<i32>} : memref<32x32xf32, #tpu.memory_space<vmem>>, vector<1x16xf32>,
    %get3A_890 = vector.shape_cast %get3A_889 : vector<1x16xf32> to vector<16xf32>
    %mul3A_891 = arith.mulf %get3A_885, %get3A_890 : vector<16xf32>
    %swap3A_892 = arith.constant 25 : i32
    %swap3A_893 = arith.index_cast %swap3A_892 : i32 to index
    %swap3A_894 = arith.constant 16 : index
    %swap3A_895 = tpu.vector_load %arg12[%swap3A_893, %swap3A_894] {strides = array<i32>} : memref<32x32xf32, #tpu.memory_space<vmem>>, vector<1x16xf32>,
    %swap3A_896 = vector.shape_cast %swap3A_895 : vector<1x16xf32> to vector<16xf32>
    %swap3A_897 = vector.shape_cast %mul3A_891 : vector<16xf32> to vector<1x16xf32>
    tpu.vector_store %arg12[%swap3A_893, %swap3A_894], %swap3A_897 {strides = array<i32>} : memref<32x32xf32, #tpu.memory_space<vmem>>, vector<1x16xf32>,
    %get3A_898 = arith.constant 26 : i32
    %get3A_899 = arith.index_cast %get3A_898 : i32 to index
    %get3A_900 = arith.constant 0 : index
    %get3A_901 = tpu.vector_load %arg12[%get3A_899, %get3A_900] {strides = array<i32>} : memref<32x32xf32, #tpu.memory_space<vmem>>, vector<1x16xf32>,
    %get3A_902 = vector.shape_cast %get3A_901 : vector<1x16xf32> to vector<16xf32>
    %get3A_903 = arith.constant 26 : i32
    %get3A_904 = arith.index_cast %get3A_903 : i32 to index
    %get3A_905 = arith.constant 0 : index
    %get3A_906 = tpu.vector_load %arg13[%get3A_904, %get3A_905] {strides = array<i32>} : memref<32x32xf32, #tpu.memory_space<vmem>>, vector<1x16xf32>,
    %get3A_907 = vector.shape_cast %get3A_906 : vector<1x16xf32> to vector<16xf32>
    %mul3A_908 = arith.mulf %get3A_902, %get3A_907 : vector<16xf32>
    %swap3A_909 = arith.constant 26 : i32
    %swap3A_910 = arith.index_cast %swap3A_909 : i32 to index
    %swap3A_911 = arith.constant 0 : index
    %swap3A_912 = tpu.vector_load %arg12[%swap3A_910, %swap3A_911] {strides = array<i32>} : memref<32x32xf32, #tpu.memory_space<vmem>>, vector<1x16xf32>,
    %swap3A_913 = vector.shape_cast %swap3A_912 : vector<1x16xf32> to vector<16xf32>
    %swap3A_914 = vector.shape_cast %mul3A_908 : vector<16xf32> to vector<1x16xf32>
    tpu.vector_store %arg12[%swap3A_910, %swap3A_911], %swap3A_914 {strides = array<i32>} : memref<32x32xf32, #tpu.memory_space<vmem>>, vector<1x16xf32>,
    %get3A_915 = arith.constant 26 : i32
    %get3A_916 = arith.index_cast %get3A_915 : i32 to index
    %get3A_917 = arith.constant 16 : index
    %get3A_918 = tpu.vector_load %arg12[%get3A_916, %get3A_917] {strides = array<i32>} : memref<32x32xf32, #tpu.memory_space<vmem>>, vector<1x16xf32>,
    %get3A_919 = vector.shape_cast %get3A_918 : vector<1x16xf32> to vector<16xf32>
    %get3A_920 = arith.constant 26 : i32
    %get3A_921 = arith.index_cast %get3A_920 : i32 to index
    %get3A_922 = arith.constant 16 : index
    %get3A_923 = tpu.vector_load %arg13[%get3A_921, %get3A_922] {strides = array<i32>} : memref<32x32xf32, #tpu.memory_space<vmem>>, vector<1x16xf32>,
    %get3A_924 = vector.shape_cast %get3A_923 : vector<1x16xf32> to vector<16xf32>
    %mul3A_925 = arith.mulf %get3A_919, %get3A_924 : vector<16xf32>
    %swap3A_926 = arith.constant 26 : i32
    %swap3A_927 = arith.index_cast %swap3A_926 : i32 to index
    %swap3A_928 = arith.constant 16 : index
    %swap3A_929 = tpu.vector_load %arg12[%swap3A_927, %swap3A_928] {strides = array<i32>} : memref<32x32xf32, #tpu.memory_space<vmem>>, vector<1x16xf32>,
    %swap3A_930 = vector.shape_cast %swap3A_929 : vector<1x16xf32> to vector<16xf32>
    %swap3A_931 = vector.shape_cast %mul3A_925 : vector<16xf32> to vector<1x16xf32>
    tpu.vector_store %arg12[%swap3A_927, %swap3A_928], %swap3A_931 {strides = array<i32>} : memref<32x32xf32, #tpu.memory_space<vmem>>, vector<1x16xf32>,
    %get3A_932 = arith.constant 27 : i32
    %get3A_933 = arith.index_cast %get3A_932 : i32 to index
    %get3A_934 = arith.constant 0 : index
    %get3A_935 = tpu.vector_load %arg12[%get3A_933, %get3A_934] {strides = array<i32>} : memref<32x32xf32, #tpu.memory_space<vmem>>, vector<1x16xf32>,
    %get3A_936 = vector.shape_cast %get3A_935 : vector<1x16xf32> to vector<16xf32>
    %get3A_937 = arith.constant 27 : i32
    %get3A_938 = arith.index_cast %get3A_937 : i32 to index
    %get3A_939 = arith.constant 0 : index
    %get3A_940 = tpu.vector_load %arg13[%get3A_938, %get3A_939] {strides = array<i32>} : memref<32x32xf32, #tpu.memory_space<vmem>>, vector<1x16xf32>,
    %get3A_941 = vector.shape_cast %get3A_940 : vector<1x16xf32> to vector<16xf32>
    %mul3A_942 = arith.mulf %get3A_936, %get3A_941 : vector<16xf32>
    %swap3A_943 = arith.constant 27 : i32
    %swap3A_944 = arith.index_cast %swap3A_943 : i32 to index
    %swap3A_945 = arith.constant 0 : index
    %swap3A_946 = tpu.vector_load %arg12[%swap3A_944, %swap3A_945] {strides = array<i32>} : memref<32x32xf32, #tpu.memory_space<vmem>>, vector<1x16xf32>,
    %swap3A_947 = vector.shape_cast %swap3A_946 : vector<1x16xf32> to vector<16xf32>
    %swap3A_948 = vector.shape_cast %mul3A_942 : vector<16xf32> to vector<1x16xf32>
    tpu.vector_store %arg12[%swap3A_944, %swap3A_945], %swap3A_948 {strides = array<i32>} : memref<32x32xf32, #tpu.memory_space<vmem>>, vector<1x16xf32>,
    %get3A_949 = arith.constant 27 : i32
    %get3A_950 = arith.index_cast %get3A_949 : i32 to index
    %get3A_951 = arith.constant 16 : index
    %get3A_952 = tpu.vector_load %arg12[%get3A_950, %get3A_951] {strides = array<i32>} : memref<32x32xf32, #tpu.memory_space<vmem>>, vector<1x16xf32>,
    %get3A_953 = vector.shape_cast %get3A_952 : vector<1x16xf32> to vector<16xf32>
    %get3A_954 = arith.constant 27 : i32
    %get3A_955 = arith.index_cast %get3A_954 : i32 to index
    %get3A_956 = arith.constant 16 : index
    %get3A_957 = tpu.vector_load %arg13[%get3A_955, %get3A_956] {strides = array<i32>} : memref<32x32xf32, #tpu.memory_space<vmem>>, vector<1x16xf32>,
    %get3A_958 = vector.shape_cast %get3A_957 : vector<1x16xf32> to vector<16xf32>
    %mul3A_959 = arith.mulf %get3A_953, %get3A_958 : vector<16xf32>
    %swap3A_960 = arith.constant 27 : i32
    %swap3A_961 = arith.index_cast %swap3A_960 : i32 to index
    %swap3A_962 = arith.constant 16 : index
    %swap3A_963 = tpu.vector_load %arg12[%swap3A_961, %swap3A_962] {strides = array<i32>} : memref<32x32xf32, #tpu.memory_space<vmem>>, vector<1x16xf32>,
    %swap3A_964 = vector.shape_cast %swap3A_963 : vector<1x16xf32> to vector<16xf32>
    %swap3A_965 = vector.shape_cast %mul3A_959 : vector<16xf32> to vector<1x16xf32>
    tpu.vector_store %arg12[%swap3A_961, %swap3A_962], %swap3A_965 {strides = array<i32>} : memref<32x32xf32, #tpu.memory_space<vmem>>, vector<1x16xf32>,
    %get3A_966 = arith.constant 28 : i32
    %get3A_967 = arith.index_cast %get3A_966 : i32 to index
    %get3A_968 = arith.constant 0 : index
    %get3A_969 = tpu.vector_load %arg12[%get3A_967, %get3A_968] {strides = array<i32>} : memref<32x32xf32, #tpu.memory_space<vmem>>, vector<1x16xf32>,
    %get3A_970 = vector.shape_cast %get3A_969 : vector<1x16xf32> to vector<16xf32>
    %get3A_971 = arith.constant 28 : i32
    %get3A_972 = arith.index_cast %get3A_971 : i32 to index
    %get3A_973 = arith.constant 0 : index
    %get3A_974 = tpu.vector_load %arg13[%get3A_972, %get3A_973] {strides = array<i32>} : memref<32x32xf32, #tpu.memory_space<vmem>>, vector<1x16xf32>,
    %get3A_975 = vector.shape_cast %get3A_974 : vector<1x16xf32> to vector<16xf32>
    %mul3A_976 = arith.mulf %get3A_970, %get3A_975 : vector<16xf32>
    %swap3A_977 = arith.constant 28 : i32
    %swap3A_978 = arith.index_cast %swap3A_977 : i32 to index
    %swap3A_979 = arith.constant 0 : index
    %swap3A_980 = tpu.vector_load %arg12[%swap3A_978, %swap3A_979] {strides = array<i32>} : memref<32x32xf32, #tpu.memory_space<vmem>>, vector<1x16xf32>,
    %swap3A_981 = vector.shape_cast %swap3A_980 : vector<1x16xf32> to vector<16xf32>
    %swap3A_982 = vector.shape_cast %mul3A_976 : vector<16xf32> to vector<1x16xf32>
    tpu.vector_store %arg12[%swap3A_978, %swap3A_979], %swap3A_982 {strides = array<i32>} : memref<32x32xf32, #tpu.memory_space<vmem>>, vector<1x16xf32>,
    %get3A_983 = arith.constant 28 : i32
    %get3A_984 = arith.index_cast %get3A_983 : i32 to index
    %get3A_985 = arith.constant 16 : index
    %get3A_986 = tpu.vector_load %arg12[%get3A_984, %get3A_985] {strides = array<i32>} : memref<32x32xf32, #tpu.memory_space<vmem>>, vector<1x16xf32>,
    %get3A_987 = vector.shape_cast %get3A_986 : vector<1x16xf32> to vector<16xf32>
    %get3A_988 = arith.constant 28 : i32
    %get3A_989 = arith.index_cast %get3A_988 : i32 to index
    %get3A_990 = arith.constant 16 : index
    %get3A_991 = tpu.vector_load %arg13[%get3A_989, %get3A_990] {strides = array<i32>} : memref<32x32xf32, #tpu.memory_space<vmem>>, vector<1x16xf32>,
    %get3A_992 = vector.shape_cast %get3A_991 : vector<1x16xf32> to vector<16xf32>
    %mul3A_993 = arith.mulf %get3A_987, %get3A_992 : vector<16xf32>
    %swap3A_994 = arith.constant 28 : i32
    %swap3A_995 = arith.index_cast %swap3A_994 : i32 to index
    %swap3A_996 = arith.constant 16 : index
    %swap3A_997 = tpu.vector_load %arg12[%swap3A_995, %swap3A_996] {strides = array<i32>} : memref<32x32xf32, #tpu.memory_space<vmem>>, vector<1x16xf32>,
    %swap3A_998 = vector.shape_cast %swap3A_997 : vector<1x16xf32> to vector<16xf32>
    %swap3A_999 = vector.shape_cast %mul3A_993 : vector<16xf32> to vector<1x16xf32>
    tpu.vector_store %arg12[%swap3A_995, %swap3A_996], %swap3A_999 {strides = array<i32>} : memref<32x32xf32, #tpu.memory_space<vmem>>, vector<1x16xf32>,
    %get3A_1000 = arith.constant 29 : i32
    %get3A_1001 = arith.index_cast %get3A_1000 : i32 to index
    %get3A_1002 = arith.constant 0 : index
    %get3A_1003 = tpu.vector_load %arg12[%get3A_1001, %get3A_1002] {strides = array<i32>} : memref<32x32xf32, #tpu.memory_space<vmem>>, vector<1x16xf32>,
    %get3A_1004 = vector.shape_cast %get3A_1003 : vector<1x16xf32> to vector<16xf32>
    %get3A_1005 = arith.constant 29 : i32
    %get3A_1006 = arith.index_cast %get3A_1005 : i32 to index
    %get3A_1007 = arith.constant 0 : index
    %get3A_1008 = tpu.vector_load %arg13[%get3A_1006, %get3A_1007] {strides = array<i32>} : memref<32x32xf32, #tpu.memory_space<vmem>>, vector<1x16xf32>,
    %get3A_1009 = vector.shape_cast %get3A_1008 : vector<1x16xf32> to vector<16xf32>
    %mul3A_1010 = arith.mulf %get3A_1004, %get3A_1009 : vector<16xf32>
    %swap3A_1011 = arith.constant 29 : i32
    %swap3A_1012 = arith.index_cast %swap3A_1011 : i32 to index
    %swap3A_1013 = arith.constant 0 : index
    %swap3A_1014 = tpu.vector_load %arg12[%swap3A_1012, %swap3A_1013] {strides = array<i32>} : memref<32x32xf32, #tpu.memory_space<vmem>>, vector<1x16xf32>,
    %swap3A_1015 = vector.shape_cast %swap3A_1014 : vector<1x16xf32> to vector<16xf32>
    %swap3A_1016 = vector.shape_cast %mul3A_1010 : vector<16xf32> to vector<1x16xf32>
    tpu.vector_store %arg12[%swap3A_1012, %swap3A_1013], %swap3A_1016 {strides = array<i32>} : memref<32x32xf32, #tpu.memory_space<vmem>>, vector<1x16xf32>,
    %get3A_1017 = arith.constant 29 : i32
    %get3A_1018 = arith.index_cast %get3A_1017 : i32 to index
    %get3A_1019 = arith.constant 16 : index
    %get3A_1020 = tpu.vector_load %arg12[%get3A_1018, %get3A_1019] {strides = array<i32>} : memref<32x32xf32, #tpu.memory_space<vmem>>, vector<1x16xf32>,
    %get3A_1021 = vector.shape_cast %get3A_1020 : vector<1x16xf32> to vector<16xf32>
    %get3A_1022 = arith.constant 29 : i32
    %get3A_1023 = arith.index_cast %get3A_1022 : i32 to index
    %get3A_1024 = arith.constant 16 : index
    %get3A_1025 = tpu.vector_load %arg13[%get3A_1023, %get3A_1024] {strides = array<i32>} : memref<32x32xf32, #tpu.memory_space<vmem>>, vector<1x16xf32>,
    %get3A_1026 = vector.shape_cast %get3A_1025 : vector<1x16xf32> to vector<16xf32>
    %mul3A_1027 = arith.mulf %get3A_1021, %get3A_1026 : vector<16xf32>
    %swap3A_1028 = arith.constant 29 : i32
    %swap3A_1029 = arith.index_cast %swap3A_1028 : i32 to index
    %swap3A_1030 = arith.constant 16 : index
    %swap3A_1031 = tpu.vector_load %arg12[%swap3A_1029, %swap3A_1030] {strides = array<i32>} : memref<32x32xf32, #tpu.memory_space<vmem>>, vector<1x16xf32>,
    %swap3A_1032 = vector.shape_cast %swap3A_1031 : vector<1x16xf32> to vector<16xf32>
    %swap3A_1033 = vector.shape_cast %mul3A_1027 : vector<16xf32> to vector<1x16xf32>
    tpu.vector_store %arg12[%swap3A_1029, %swap3A_1030], %swap3A_1033 {strides = array<i32>} : memref<32x32xf32, #tpu.memory_space<vmem>>, vector<1x16xf32>,
    %get3A_1034 = arith.constant 30 : i32
    %get3A_1035 = arith.index_cast %get3A_1034 : i32 to index
    %get3A_1036 = arith.constant 0 : index
    %get3A_1037 = tpu.vector_load %arg12[%get3A_1035, %get3A_1036] {strides = array<i32>} : memref<32x32xf32, #tpu.memory_space<vmem>>, vector<1x16xf32>,
    %get3A_1038 = vector.shape_cast %get3A_1037 : vector<1x16xf32> to vector<16xf32>
    %get3A_1039 = arith.constant 30 : i32
    %get3A_1040 = arith.index_cast %get3A_1039 : i32 to index
    %get3A_1041 = arith.constant 0 : index
    %get3A_1042 = tpu.vector_load %arg13[%get3A_1040, %get3A_1041] {strides = array<i32>} : memref<32x32xf32, #tpu.memory_space<vmem>>, vector<1x16xf32>,
    %get3A_1043 = vector.shape_cast %get3A_1042 : vector<1x16xf32> to vector<16xf32>
    %mul3A_1044 = arith.mulf %get3A_1038, %get3A_1043 : vector<16xf32>
    %swap3A_1045 = arith.constant 30 : i32
    %swap3A_1046 = arith.index_cast %swap3A_1045 : i32 to index
    %swap3A_1047 = arith.constant 0 : index
    %swap3A_1048 = tpu.vector_load %arg12[%swap3A_1046, %swap3A_1047] {strides = array<i32>} : memref<32x32xf32, #tpu.memory_space<vmem>>, vector<1x16xf32>,
    %swap3A_1049 = vector.shape_cast %swap3A_1048 : vector<1x16xf32> to vector<16xf32>
    %swap3A_1050 = vector.shape_cast %mul3A_1044 : vector<16xf32> to vector<1x16xf32>
    tpu.vector_store %arg12[%swap3A_1046, %swap3A_1047], %swap3A_1050 {strides = array<i32>} : memref<32x32xf32, #tpu.memory_space<vmem>>, vector<1x16xf32>,
    %get3A_1051 = arith.constant 30 : i32
    %get3A_1052 = arith.index_cast %get3A_1051 : i32 to index
    %get3A_1053 = arith.constant 16 : index
    %get3A_1054 = tpu.vector_load %arg12[%get3A_1052, %get3A_1053] {strides = array<i32>} : memref<32x32xf32, #tpu.memory_space<vmem>>, vector<1x16xf32>,
    %get3A_1055 = vector.shape_cast %get3A_1054 : vector<1x16xf32> to vector<16xf32>
    %get3A_1056 = arith.constant 30 : i32
    %get3A_1057 = arith.index_cast %get3A_1056 : i32 to index
    %get3A_1058 = arith.constant 16 : index
    %get3A_1059 = tpu.vector_load %arg13[%get3A_1057, %get3A_1058] {strides = array<i32>} : memref<32x32xf32, #tpu.memory_space<vmem>>, vector<1x16xf32>,
    %get3A_1060 = vector.shape_cast %get3A_1059 : vector<1x16xf32> to vector<16xf32>
    %mul3A_1061 = arith.mulf %get3A_1055, %get3A_1060 : vector<16xf32>
    %swap3A_1062 = arith.constant 30 : i32
    %swap3A_1063 = arith.index_cast %swap3A_1062 : i32 to index
    %swap3A_1064 = arith.constant 16 : index
    %swap3A_1065 = tpu.vector_load %arg12[%swap3A_1063, %swap3A_1064] {strides = array<i32>} : memref<32x32xf32, #tpu.memory_space<vmem>>, vector<1x16xf32>,
    %swap3A_1066 = vector.shape_cast %swap3A_1065 : vector<1x16xf32> to vector<16xf32>
    %swap3A_1067 = vector.shape_cast %mul3A_1061 : vector<16xf32> to vector<1x16xf32>
    tpu.vector_store %arg12[%swap3A_1063, %swap3A_1064], %swap3A_1067 {strides = array<i32>} : memref<32x32xf32, #tpu.memory_space<vmem>>, vector<1x16xf32>,
    %get3A_1068 = arith.constant 31 : i32
    %get3A_1069 = arith.index_cast %get3A_1068 : i32 to index
    %get3A_1070 = arith.constant 0 : index
    %get3A_1071 = tpu.vector_load %arg12[%get3A_1069, %get3A_1070] {strides = array<i32>} : memref<32x32xf32, #tpu.memory_space<vmem>>, vector<1x16xf32>,
    %get3A_1072 = vector.shape_cast %get3A_1071 : vector<1x16xf32> to vector<16xf32>
    %get3A_1073 = arith.constant 31 : i32
    %get3A_1074 = arith.index_cast %get3A_1073 : i32 to index
    %get3A_1075 = arith.constant 0 : index
    %get3A_1076 = tpu.vector_load %arg13[%get3A_1074, %get3A_1075] {strides = array<i32>} : memref<32x32xf32, #tpu.memory_space<vmem>>, vector<1x16xf32>,
    %get3A_1077 = vector.shape_cast %get3A_1076 : vector<1x16xf32> to vector<16xf32>
    %mul3A_1078 = arith.mulf %get3A_1072, %get3A_1077 : vector<16xf32>
    %swap3A_1079 = arith.constant 31 : i32
    %swap3A_1080 = arith.index_cast %swap3A_1079 : i32 to index
    %swap3A_1081 = arith.constant 0 : index
    %swap3A_1082 = tpu.vector_load %arg12[%swap3A_1080, %swap3A_1081] {strides = array<i32>} : memref<32x32xf32, #tpu.memory_space<vmem>>, vector<1x16xf32>,
    %swap3A_1083 = vector.shape_cast %swap3A_1082 : vector<1x16xf32> to vector<16xf32>
    %swap3A_1084 = vector.shape_cast %mul3A_1078 : vector<16xf32> to vector<1x16xf32>
    tpu.vector_store %arg12[%swap3A_1080, %swap3A_1081], %swap3A_1084 {strides = array<i32>} : memref<32x32xf32, #tpu.memory_space<vmem>>, vector<1x16xf32>,
    %get3A_1085 = arith.constant 31 : i32
    %get3A_1086 = arith.index_cast %get3A_1085 : i32 to index
    %get3A_1087 = arith.constant 16 : index
    %get3A_1088 = tpu.vector_load %arg12[%get3A_1086, %get3A_1087] {strides = array<i32>} : memref<32x32xf32, #tpu.memory_space<vmem>>, vector<1x16xf32>,
    %get3A_1089 = vector.shape_cast %get3A_1088 : vector<1x16xf32> to vector<16xf32>
    %get3A_1090 = arith.constant 31 : i32
    %get3A_1091 = arith.index_cast %get3A_1090 : i32 to index
    %get3A_1092 = arith.constant 16 : index
    %get3A_1093 = tpu.vector_load %arg13[%get3A_1091, %get3A_1092] {strides = array<i32>} : memref<32x32xf32, #tpu.memory_space<vmem>>, vector<1x16xf32>,
    %get3A_1094 = vector.shape_cast %get3A_1093 : vector<1x16xf32> to vector<16xf32>
    %mul3A_1095 = arith.mulf %get3A_1089, %get3A_1094 : vector<16xf32>
    %swap3A_1096 = arith.constant 31 : i32
    %swap3A_1097 = arith.index_cast %swap3A_1096 : i32 to index
    %swap3A_1098 = arith.constant 16 : index
    %swap3A_1099 = tpu.vector_load %arg12[%swap3A_1097, %swap3A_1098] {strides = array<i32>} : memref<32x32xf32, #tpu.memory_space<vmem>>, vector<1x16xf32>,
    %swap3A_1100 = vector.shape_cast %swap3A_1099 : vector<1x16xf32> to vector<16xf32>
    %swap3A_1101 = vector.shape_cast %mul3A_1095 : vector<16xf32> to vector<1x16xf32>
    tpu.vector_store %arg12[%swap3A_1097, %swap3A_1098], %swap3A_1101 {strides = array<i32>} : memref<32x32xf32, #tpu.memory_space<vmem>>, vector<1x16xf32>,
    "tpu.region"() ({
      %run_scoped3A = tpu.sem_alloc : memref<!tpu.dma_semaphore, #tpu.memory_space<semaphore_mem>>
      %dma_start3A_1105 = arith.constant 0 : i32
      %dma_start3A_1106 = tpu.memref_slice %arg7[%mul3A_2, %dma_start3A_1105] : memref<1024x32xf32, #tpu.memory_space<hbm>> -> memref<32x32xf32, #tpu.memory_space<hbm>>
      %dma_start3A_1107 = arith.constant 0 : i32
      %dma_start3A_1108 = tpu.memref_slice %arg7[%mul3A_2, %dma_start3A_1107] : memref<1024x32xf32, #tpu.memory_space<hbm>> -> memref<32x32xf32, #tpu.memory_space<hbm>>
      tpu.enqueue_dma source(%arg12 : memref<32x32xf32, #tpu.memory_space<vmem>>) target(%dma_start3A_1108 : memref<32x32xf32, #tpu.memory_space<hbm>>) target_semaphore(%run_scoped3A : memref<!tpu.dma_semaphore, #tpu.memory_space<semaphore_mem>>)
      %dma_wait3A_1109 = arith.constant 0 : i32
      %dma_wait3A_1110 = tpu.memref_slice %arg7[%mul3A_2, %dma_wait3A_1109] : memref<1024x32xf32, #tpu.memory_space<hbm>> -> memref<32x32xf32, #tpu.memory_space<hbm>>
      %dma_wait3A_1111 = arith.constant 0 : i32
      %dma_wait3A_1112 = tpu.memref_slice %arg7[%mul3A_2, %dma_wait3A_1111] : memref<1024x32xf32, #tpu.memory_space<hbm>> -> memref<32x32xf32, #tpu.memory_space<hbm>>
      tpu.wait_dma2 semaphore(%run_scoped3A : memref<!tpu.dma_semaphore, #tpu.memory_space<semaphore_mem>>) src(%arg12 : memref<32x32xf32, #tpu.memory_space<vmem>>) dst(%dma_wait3A_1112 : memref<32x32xf32, #tpu.memory_space<hbm>>)
      tpu.yield
    }) : () -> ()
    %dma_wait3A_1102 = arith.constant 0 : i32
    %dma_wait3A_1103 = arith.constant 0 : i32
    %dma_wait3A_1104 = tpu.memref_slice %arg2[%dma_wait3A_1102, %dma_wait3A_1103] : memref<100000x32xf32, #tpu.memory_space<hbm>> -> memref<100000x32xf32, #tpu.memory_space<hbm>>
    tpu.wait_indirect_dma semaphore(%arg17 : memref<!tpu.dma_semaphore, #tpu.memory_space<semaphore_mem>>) src(%dma_wait3A_1104 : memref<100000x32xf32, #tpu.memory_space<hbm>>) dst(%arg14 : memref<32x32xf32, #tpu.memory_space<vmem>>)
    "tpu.region"() ({
      %run_scoped3A = tpu.sem_alloc : memref<!tpu.dma_semaphore, #tpu.memory_space<semaphore_mem>>
      %dma_start3A_1105 = arith.constant 0 : i32
      %dma_start3A_1106 = tpu.memref_slice %arg8[%mul3A_2, %dma_start3A_1105] : memref<1024x32xf32, #tpu.memory_space<hbm>> -> memref<32x32xf32, #tpu.memory_space<hbm>>
      %dma_start3A_1107 = arith.constant 0 : i32
      %dma_start3A_1108 = tpu.memref_slice %arg8[%mul3A_2, %dma_start3A_1107] : memref<1024x32xf32, #tpu.memory_space<hbm>> -> memref<32x32xf32, #tpu.memory_space<hbm>>
      tpu.enqueue_dma source(%arg14 : memref<32x32xf32, #tpu.memory_space<vmem>>) target(%dma_start3A_1108 : memref<32x32xf32, #tpu.memory_space<hbm>>) target_semaphore(%run_scoped3A : memref<!tpu.dma_semaphore, #tpu.memory_space<semaphore_mem>>)
      %dma_wait3A_1109 = arith.constant 0 : i32
      %dma_wait3A_1110 = tpu.memref_slice %arg8[%mul3A_2, %dma_wait3A_1109] : memref<1024x32xf32, #tpu.memory_space<hbm>> -> memref<32x32xf32, #tpu.memory_space<hbm>>
      %dma_wait3A_1111 = arith.constant 0 : i32
      %dma_wait3A_1112 = tpu.memref_slice %arg8[%mul3A_2, %dma_wait3A_1111] : memref<1024x32xf32, #tpu.memory_space<hbm>> -> memref<32x32xf32, #tpu.memory_space<hbm>>
      tpu.wait_dma2 semaphore(%run_scoped3A : memref<!tpu.dma_semaphore, #tpu.memory_space<semaphore_mem>>) src(%arg14 : memref<32x32xf32, #tpu.memory_space<vmem>>) dst(%dma_wait3A_1112 : memref<32x32xf32, #tpu.memory_space<hbm>>)
      tpu.yield
    }) : () -> ()
    return
  }
}

module attributes {stable_mosaic.version = 14 : i64} {
  func.func @_tc_body(%arg0: i32, %arg1: memref<32x32xf32, #tpu.memory_space<vmem>>, %arg2: memref<32x32xf32, #tpu.memory_space<vmem>>, %arg3: memref<32x1xi32, #tpu.memory_space<vmem>>, %arg4: memref<32x100000xf32, #tpu.memory_space<vmem>>, %arg5: memref<32x100000xf32, #tpu.memory_space<vmem>>, %arg6: memref<32x1xf32, #tpu.memory_space<vmem>>) attributes {dimension_semantics = [#tpu.dimension_semantics<parallel>], iteration_bounds = array<i64: 32>, scalar_prefetch = 0 : i64, scratch_operands = 0 : i64, tpu.core_type = #tpu.core_type<tc>, window_params = [{transform_indices = @transform_0, window_bounds = array<i64: 32, 32>}, {transform_indices = @transform_1, window_bounds = array<i64: 32, 32>}, {transform_indices = @transform_2, window_bounds = array<i64: 32, 1>}, {pipeline_mode = #tpu.pipeline_mode<synchronous>, transform_indices = @transform_3, window_bounds = array<i64: 32, 100000>}, {transform_indices = @transform_4, window_bounds = array<i64: 32, 100000>}, {transform_indices = @transform_5, window_bounds = array<i64: 32, 1>}]} {
    %get3A = arith.constant 0 : index
    %get3A_0 = arith.constant 0 : index
    %get3A_1 = vector.load %arg1[%get3A, %get3A_0] : memref<32x32xf32, #tpu.memory_space<vmem>>, vector<32x32xf32>
    %get3A_2 = arith.constant 0 : index
    %get3A_3 = arith.constant 0 : index
    %get3A_4 = vector.load %arg2[%get3A_2, %get3A_3] : memref<32x32xf32, #tpu.memory_space<vmem>>, vector<32x32xf32>
    %mul3A = arith.mulf %get3A_1, %get3A_4 : vector<32x32xf32>
    %reduce_sum3A = arith.constant dense<0.000000e+00> : vector<32xf32>
    %reduce_sum3A_5 = vector.multi_reduction <add>, %mul3A, %reduce_sum3A [1] : vector<32x32xf32> to vector<32xf32>
    %broadcast_in_dim3A = vector.shape_cast %reduce_sum3A_5 : vector<32xf32> to vector<32x1xf32>
    %get3A_6 = arith.constant 0 : index
    %get3A_7 = arith.constant 0 : index
    %get3A_8 = vector.load %arg1[%get3A_6, %get3A_7] : memref<32x32xf32, #tpu.memory_space<vmem>>, vector<32x32xf32>
    %get3A_9 = arith.constant 0 : index
    %get3A_10 = arith.constant 0 : index
    %get3A_11 = vector.load %arg4[%get3A_9, %get3A_10] : memref<32x100000xf32, #tpu.memory_space<vmem>>, vector<32x100000xf32>
    %dot_general3A = arith.constant dense<0.000000e+00> : vector<32x100000xf32>
    %dot_general3A_12 = tpu.matmul %get3A_8, %get3A_11, %dot_general3A {dimension_numbers = #tpu.dot_dimension_numbers<[1], [0], [0], [1], [0, 0, 1, 1], [], []>, transpose_lhs_hint = false} : vector<32x32xf32>, vector<32x100000xf32>, vector<32x100000xf32> -> vector<32x100000xf32>
    %iota3A = tpu.iota {dimensions = array<i32: 1>} : vector<32x100000xi32>
    %get3A_13 = arith.constant 0 : index
    %get3A_14 = arith.constant 0 : index
    %get3A_15 = vector.load %arg3[%get3A_13, %get3A_14] : memref<32x1xi32, #tpu.memory_space<vmem>>, vector<32x1xi32>
    %eq3A = vector.broadcast %get3A_15 : vector<32x1xi32> to vector<32x100000xi32>
    %eq3A_16 = arith.cmpi eq, %iota3A, %eq3A : vector<32x100000xi32>
    %jit3A = arith.constant -1.000000e+06 : f32
    %broadcast_in_dim3A_17 = vector.broadcast %jit3A : f32 to vector<32x100000xf32>
    %select_n3A = arith.select %eq3A_16, %broadcast_in_dim3A_17, %dot_general3A_12 : vector<32x100000xi1>, vector<32x100000xf32>
    %swap3A = arith.constant 0 : index
    %swap3A_18 = arith.constant 0 : index
    %swap3A_19 = vector.load %arg5[%swap3A, %swap3A_18] : memref<32x100000xf32, #tpu.memory_space<vmem>>, vector<32x100000xf32>
    tpu.vector_store %arg5[%swap3A, %swap3A_18], %select_n3A {strides = array<i32>} : memref<32x100000xf32, #tpu.memory_space<vmem>>, vector<32x100000xf32>,
    %ge3A = vector.broadcast %broadcast_in_dim3A : vector<32x1xf32> to vector<32x100000xf32>
    %ge3A_20 = arith.cmpf oge, %select_n3A, %ge3A : vector<32x100000xf32>
    %convert_element_type3A = arith.extui %ge3A_20 : vector<32x100000xi1> to vector<32x100000xi32>
    %convert_element_type3A_21 = arith.sitofp %convert_element_type3A : vector<32x100000xi32> to vector<32x100000xf32>
    %reduce_sum3A_22 = arith.constant dense<0.000000e+00> : vector<32xf32>
    %reduce_sum3A_23 = vector.multi_reduction <add>, %convert_element_type3A_21, %reduce_sum3A_22 [1] : vector<32x100000xf32> to vector<32xf32>
    %broadcast_in_dim3A_24 = vector.shape_cast %reduce_sum3A_23 : vector<32xf32> to vector<32x1xf32>
    %add3A = arith.constant 1.000000e+00 : f32
    %add3A_25 = vector.broadcast %add3A : f32 to vector<32x1xf32>
    %add3A_26 = arith.addf %add3A_25, %broadcast_in_dim3A_24 : vector<32x1xf32>
    %swap3A_27 = arith.constant 0 : index
    %swap3A_28 = arith.constant 0 : index
    %swap3A_29 = vector.load %arg6[%swap3A_27, %swap3A_28] : memref<32x1xf32, #tpu.memory_space<vmem>>, vector<32x1xf32>
    tpu.vector_store %arg6[%swap3A_27, %swap3A_28], %add3A_26 {strides = array<i32>} : memref<32x1xf32, #tpu.memory_space<vmem>>, vector<32x1xf32>,
    return
  }
  func.func @transform_0(%arg0: i32) -> (i32, i32) {
    %c0_i32 = arith.constant 0 : i32
    %c0_i32_0 = arith.constant 0 : i32
    return %arg0, %c0_i32 : i32, i32
  }
  func.func @transform_1(%arg0: i32) -> (i32, i32) {
    %c0_i32 = arith.constant 0 : i32
    %c0_i32_0 = arith.constant 0 : i32
    return %arg0, %c0_i32 : i32, i32
  }
  func.func @transform_2(%arg0: i32) -> (i32, i32) {
    %c0_i32 = arith.constant 0 : i32
    %c0_i32_0 = arith.constant 0 : i32
    return %arg0, %c0_i32 : i32, i32
  }
  func.func @transform_3(%arg0: i32) -> (i32, i32) {
    %c0_i32 = arith.constant 0 : i32
    %c0_i32_0 = arith.constant 0 : i32
    %c0_i32_1 = arith.constant 0 : i32
    return %c0_i32, %c0_i32_0 : i32, i32
  }
  func.func @transform_4(%arg0: i32) -> (i32, i32) {
    %c0_i32 = arith.constant 0 : i32
    %c0_i32_0 = arith.constant 0 : i32
    return %arg0, %c0_i32 : i32, i32
  }
  func.func @transform_5(%arg0: i32) -> (i32, i32) {
    %c0_i32 = arith.constant 0 : i32
    %c0_i32_0 = arith.constant 0 : i32
    return %arg0, %c0_i32 : i32, i32
  }
}

</mosaic_0001>

<sc_bundles>
// kernel: kernel.4.cloned.1.call-start
scs
__scs_entry_jumppad:
0x0: {  	(pc) =	sbr.rel $0x88, $3  }
0x1: {  	(tag) =	ssettag $0x0;
	lr =	simm.s32 $0x1  }
0x2: {  	[smem:$0x3F9E] =	sst lr;
	_ =	strace $0xD0000000  }
0x3: {  	_ = 	snop  }
0x4: {  	_ = 	snop  }
0x5: {  	_ = 	snop  }
0x6: {  	_ = 	snop  }
0x7: {  	_ = 	snop  }
__scs_overlays_trampoline_lowered:
0x8: {  	[smem:$0x3FAD] =	sst s0  }
0x9: {  	[smem:$0x3FAE] =	sst s1  }
0xa: {  	[smem:$0x3FAF] =	sst s2  }
0xb: {  	[smem:$0x3FB0] =	sst s3  }
0xc: {  	[smem:$0x3FB1] =	sst s4  }
0xd: {  	[smem:$0x3FB2] =	sst s5  }
0xe: {  	[smem:$0x3FB3] =	sst s6  }
0xf: {  	[smem:$0x3FB4] =	sst s7  }
0x10: {  	[smem:$0x3FB5] =	sst s8  }
0x11: {  	[smem:$0x3FB6] =	sst s9;
	s0 =	simm.s32 @!p0 $0x0  }
0x12: {  	s1 =	sld [smem:$0x3F9C];
	s0 =	simm.s32 @p0 $0x1  }
0x13: {  	[smem:$0x3FB7] =	sst s0;
	s0 =	simm.s32 @!p1 $0x0  }
0x14: {  	s2 =	sld [smem:$0x3F9B];
	s0 =	simm.s32 @p1 $0x1  }
0x15: {  	[smem:$0x3FB8] =	sst s0;
	s0 =	simm.s32 @!p2 $0x0  }
0x16: {  	s3 =	sld [smem:$0x3FDB];
	s0 =	simm.s32 @p2 $0x1  }
0x17: {  	s4 =	simm.s32 $0x1BF5;
	[smem:$0x3FBA] =	sst s0  }
0x18: {  	s0 =	sld [smem:$0x3F9D];
	_ =	swait.ge [sflag:s4], $0x0  }
0x19: {  	s7 =	sld [smem:$0x3F9E]  }
0x1a: {  	s8 =	sadd.s32 $0xFFFFE003, lr  }
0x1b: {  	s9 =	sadd.s32 $0xFFFFFEF7, lr;
	s5 =	simm.s32 $0xFFFFFFFF;
	p2 =	slt.u32 s8, $0xFFFFF086  }
0x1c: {  	p1 =	slt.u32 s9, $0xF7A;
	s5 =	simm.s32 @!p2 $0x0  }
0x1d: {  	s5 =	simm.s32 @p1 $0x1;
	p0 =	seq.s32 s7, s2  }
0x1e: {  	s7 =	smul.u32 @!p0 $0xF7A, s2;
	p2 =	seq.s32 @!p0 s5, $0x0  }
0x1f: {  	s9 =	smul.u32 $0xF7A, s1;
	s8 =	simm.s32 @!p0 $0x1BF5;
	p2 =	por !p2, p0  }
0x20: {  	[sflag:s8] =	ssyncset.s32 @!p0 $0xFFFFF086;
	s6 =	sadd.s32 @!p0 s3, s7;
	s7 =	simm.s32 @!p0 $0x108  }
0x21: {  	s3 =	sadd.s32 s3, s9;
	s6 =	sadd.s32 @!p0 $0x88, s6;
	s7 =	simm.s32 @p2 $0x1082  }
0x22: {  	[simem:s7], [sflag:s8] =	dma.local @!p0 [hbm:s6], $0xF7A  }
0x23: {  	s9 =	sor.u32 $0xD0000000, s2;
	s6 =	simm.s32 $0x108;
	_ =	swait.ge @!p0 [sflag:s8], $0x0  }
0x24: {  	s3 =	sadd.s32 $0x88, s3;
	s6 =	simm.s32 @!p1 $0x1082;
	[sflag:s4] =	ssyncset.s32 $0xFFFFF086  }
0x25: {  	[simem:s6], [sflag:s4] =	dma.local [hbm:s3], $0xF7A  }
0x26: {  	[smem:$0x3F9E] =	sst s1;
	(tag) =	ssettag s2;
	_ =	strace s9  }
0x27: {  	s1 =	sld [smem:$0x3FAE]  }
0x28: {  	s2 =	sld [smem:$0x3FAF]  }
0x29: {  	s4 =	sld [smem:$0x3FB1]  }
0x2a: {  	p0 =	seq.s32 s5, $0x0;
	s5 =	sld [smem:$0x3FB2]  }
0x2b: {  	s6 =	sld [smem:$0x3FB3]  }
0x2c: {  	s7 =	sld [smem:$0x3FB4]  }
0x2d: {  	s3 =	simm.s32 $0x108;
	s8 =	sld [smem:$0x3FB5]  }
0x2e: {  	s3 =	simm.s32 @!p0 $0x1082;
	s9 =	sld [smem:$0x3FB6]  }
0x2f: {  	lr =	sadd.s32 s0, s3;
	s0 =	sld [smem:$0x3FAD]  }
0x30: {  	s3 =	sld [smem:$0x3FB0]  }
0x31: {  	[smem:$0x3FB9] =	sst s10  }
0x32: {  	s10 =	sld [smem:$0x3FB7];
	_ =	sdelay $0x3  }
0x33: {  	p0 =	seq.s32 s10, $0x1;
	s10 =	sld [smem:$0x3FB9];
	_ =	sdelay $0x3  }
0x34: {  	[smem:$0x3FB9] =	sst s10  }
0x35: {  	s10 =	sld [smem:$0x3FB8];
	_ =	sdelay $0x3  }
0x36: {  	p1 =	seq.s32 s10, $0x1;
	s10 =	sld [smem:$0x3FB9];
	_ =	sdelay $0x3  }
0x37: {  	[smem:$0x3FB9] =	sst s10  }
0x38: {  	s10 =	sld [smem:$0x3FBA]  }
0x39: {  	_ = 	snop;
	(pc) =	sbr.ind lr, $3  }
0x3a: {  	_ = 	snop  }
0x3b: {  	_ = 	snop  }
0x3c: {  	p2 =	seq.s32 s10, $0x1;
	s10 =	sld [smem:$0x3FB9]  }
0x3d: {  	_ =	shalt  }
0x3e: {  	_ =	shalt  }
0x3f: {  	_ =	shalt  }
0x40: {  	_ =	shalt  }
0x41: {  	_ =	shalt  }
0x42: {  	_ =	shalt  }
0x43: {  	_ =	shalt  }
0x44: {  	_ =	shalt  }
0x45: {  	_ =	shalt  }
0x46: {  	_ =	shalt  }
0x47: {  	_ =	shalt  }
0x48: {  	_ =	shalt  }
0x49: {  	_ =	shalt  }
0x4a: {  	_ =	shalt  }
0x4b: {  	_ =	shalt  }
0x4c: {  	_ =	shalt  }
0x4d: {  	_ =	shalt  }
0x4e: {  	_ =	shalt  }
0x4f: {  	_ =	shalt  }
0x50: {  	_ =	shalt  }
0x51: {  	_ =	shalt  }
0x52: {  	_ =	shalt  }
0x53: {  	_ =	shalt  }
0x54: {  	_ =	shalt  }
0x55: {  	_ =	shalt  }
0x56: {  	_ =	shalt  }
0x57: {  	_ =	shalt  }
0x58: {  	_ =	shalt  }
0x59: {  	_ =	shalt  }
0x5a: {  	_ =	shalt  }
0x5b: {  	_ =	shalt  }
0x5c: {  	_ =	shalt  }
0x5d: {  	_ =	shalt  }
0x5e: {  	_ =	shalt  }
0x5f: {  	_ =	shalt  }
0x60: {  	_ =	shalt  }
0x61: {  	_ =	shalt  }
0x62: {  	_ =	shalt  }
0x63: {  	_ =	shalt  }
0x64: {  	_ =	shalt  }
0x65: {  	_ =	shalt  }
0x66: {  	_ =	shalt  }
0x67: {  	_ =	shalt  }
0x68: {  	_ =	shalt  }
0x69: {  	_ =	shalt  }
0x6a: {  	_ =	shalt  }
0x6b: {  	_ =	shalt  }
0x6c: {  	_ =	shalt  }
0x6d: {  	_ =	shalt  }
0x6e: {  	_ =	shalt  }
0x6f: {  	_ =	shalt  }
0x70: {  	_ =	shalt  }
0x71: {  	_ =	shalt  }
0x72: {  	_ =	shalt  }
0x73: {  	_ =	shalt  }
0x74: {  	_ =	shalt  }
0x75: {  	_ =	shalt  }
0x76: {  	_ =	shalt  }
0x77: {  	_ =	shalt  }
0x78: {  	_ =	shalt  }
0x79: {  	_ =	shalt  }
0x7a: {  	_ =	shalt  }
0x7b: {  	_ =	shalt  }
0x7c: {  	_ =	shalt  }
0x7d: {  	_ =	shalt  }
0x7e: {  	_ =	shalt  }
0x7f: {  	_ =	shalt  }
0x80: {  	_ =	shalt  }
0x81: {  	_ =	shalt  }
0x82: {  	_ =	shalt  }
0x83: {  	_ =	shalt  }
0x84: {  	_ =	shalt  }
0x85: {  	_ =	shalt  }
0x86: {  	_ =	shalt  }
0x87: {  	_ =	shalt  }
.Lfunc_end0:
.L_simem_size_0:
called_computation_lowered:
.L_overlay_start_0:
0x88: {  	s2 =	sld [smem:$0x3FD9]  }
0x89: {  	s3 =	sld [smem:$0x3FFE];
	_ =	sdelay $0x1  }
0x8a: {  	s1 =	srdreg.scid  }
0x8b: {  	s0 =	sand.u32 $0x1, s1  }
0x8c: {  	s14 =	sshll.u32 s0, $0xA;
	s2 =	sadd.s32 s3, s2  }
0x8d: {  	s2 =	sadd.s32 s2, s14  }
0x8e: {  	[smem:$0x3FC5] =	sst s2  }
0x8f: {  	_ = 	snop  }
0x90: {  	s2 =	sld [smem:$0x3FD0];
	_ =	sdelay $0x2  }
0x91: {  	s15 =	simm.s32 $0xA;
	s4 =	simm.s32 $0x10  }
0x92: {  	[smem:s4], [sflag:s15] =	dma.local [hbm:s2], $0x1  }
0x93: {  	_ =	swait.eq [sflag:s15], $0x1  }
0x94: {  	[sflag:s15] =	ssyncset.done $0x0  }
0x95: {  	s16 =	sld [smem:$0x10];
	[sflag:s15] =	ssyncadd.s32 $0xFFFFFFFF  }
0x96: {  	s17 =	sld [smem:$0x11];
	(tm) =	ssettm $0x1  }
0x97: {  	s18 =	sld [smem:$0x3FFB];
	_ =	sdelay $0x3  }
0x98: {  	_ =	strace s18  }
0x99: {  	s4 =	sld [smem:$0x3FFC];
	_ =	sdelay $0x3  }
0x9a: {  	_ =	strace s4  }
0x9b: {  	s4 =	sld [smem:$0x3FFD];
	_ =	sdelay $0x3  }
0x9c: {  	_ =	strace s4  }
0x9d: {  	_ =	strace $0x8FFFFFFF  }
0x9e: {  	s19 =	sld [smem:$0x3FDB];
	_ =	sdelay $0x1  }
0x9f: {  	s5 =	simm.s32 $_scs_section_size  }
0xa0: {  	s6 =	simm.s32 $_size__tile_overlayer_lowered;
	s7 =	simm.s32 $_tile_overlayer_lowered  }
0xa1: {  	s22 =	simm.s32 $0x1BFF;
	s21 =	sshll.u32 s7, $0x1;
	s4 =	sadd.s32 s5, s19  }
0xa2: {  	s8 =	simm.s32 $0x0;
	s20 =	sshll.u32 s6, $0x1;
	s6 =	sadd.s32 s21, s4  }
0xa3: {  	[timem:s8], [sflag:s22] =	dma.local [hbm:s6], s20  }
0xa4: {  	_ =	swait.ge [sflag:s22], s20  }
0xa5: {  	s5 =	ssub.s32 $0x0, s20;
	[sflag:s22] =	ssyncset.done $0x0  }
0xa6: {  	[sflag:s22] =	ssyncadd.s32 s5;
	_ =	sdelay $0x1  }
0xa7: {  	s23 =	simm.s32 $0x1B8B  }
0xa8: {  	_ =	swait.ge [sflag:s23], $0x1  }
0xa9: {  	[sflag:s23] =	ssyncset.done $0x0  }
0xaa: {  	s25 =	simm.s32 $0x1B8E;
	s24 =	sld [smem:$0x3FFE];
	[sflag:s23] =	ssyncadd.s32 $0xFFFFFFFF  }
0xab: {  	s26 =	simm.s32 $execute0_lowered;
	[smem:$0x3FD2] =	sst s25  }
0xac: {  	s6 =	sshll.u32 s26, $0x1;
	_ =	strace $0x80000046;
	[dreg:$0x1] =	wrdreg $0xFFFFFFFF  }
0xad: {  	s28 =	simm.s32 $_size_execute0_lowered;
	s4 =	sadd.s32 s4, s6;
	[dreg:$0x0] =	wrdreg $0x0  }
0xae: {  	s6 =	sshll.u32 s28, $0x1;
	[dreg:$0x2] =	wrdreg s4  }
0xaf: {  	[dreg:$0x3] =	wrdreg s6  }
0xb0: {  	[dreg:$0x4] =	wrdreg $0xC0  }
0xb1: {  	_ =	task [dreg:s8], $0x5FFFF  }
0xb2: {  	[dreg:$0x1] =	wrdreg $0xFFFFFFFF  }
0xb3: {  	[dreg:$0x0] =	wrdreg $0x60  }
0xb4: {  	[dreg:$0x2] =	wrdreg s24  }
0xb5: {  	[dreg:$0x3] =	wrdreg s16  }
0xb6: {  	[dreg:$0x4] =	wrdreg s17  }
0xb7: {  	[dreg:$0x5] =	wrdreg $0x9  }
0xb8: {  	_ =	task.clear_ibuf [dreg:s8], $0x6FFFF;
	_ =	strace $0x90000046  }
0xb9: {  	s29 =	simm.s32 $0x9;
	_ =	strace $0x80000048  }
0xba: {  	_ =	swait.ge [sflag:s29], $0x1  }
0xbb: {  	[sflag:s29] =	ssyncadd.s32 $0xFFFFFFFF  }
0xbc: {  	_ =	strace $0x90000048  }
0xbd: {  	_ =	sfence  }
0xbe: {  	s30 =	sld [smem:$0x0];
	_ =	sdelay $0x2  }
0xbf: {  	s31 =	sshll.u32 s1, $0xD;
	s1 =	sshrl.u32 s1, $0x2  }
0xc0: {  	s3 =	sand.u32 $0x4000, s31;
	s1 =	sadd.s32 s1, s30  }
0xc1: {  	s0 =	sor.u32 s3, s0;
	s1 =	sshll.u32 s1, $0x11  }
0xc2: {  	s0 =	sor.u32 s1, s0  }
0xc3: {  	s0 =	sadd.s32 $0x8F2B, s0  }
0xc4: {  	[sflag:s0] =	ssyncadd.remote.s32 $0x1  }
0xc5: {  	_ =	sfence.sel $0xFFFF  }
0xc6: {  	[dreg:$0x0] =	wrdreg $0xFFFFFFFF;
	(pc) =	sbr.abs _section_cstart, $3  }
0xc7: {  	[dreg:$0x1] =	wrdreg $0xFFFFFFFF  }
0xc8: {  	_ =	task.clear_ibuf [dreg:s8], $0x2FFFF;
	_ =	strace $0x9FFFFFFF  }
0xc9: {  	(tm) =	ssettm $0x7FFFFFFF  }
tec
execute0_lowered:
.L_overlay_start_1:
0x0: {  	(tag) =	ssettag $0x1  }
0x1: {  	s5 =	rddreg [dreg:$0x0]  }
0x2: {  	s7 =	rddreg [dreg:$0x1]  }
0x3: {  	s8 =	rddreg [dreg:$0x2]  }
0x4: {  	s0 =	rddreg [dreg:$0x3]  }
0x5: {  	s2 =	simm.s32 $0x0;
	s3 =	srdreg.scid;
	s1 =	stileid.u32  }
0x6: {  	s14 =	simm.s32 $0x60;
	s15 =	simm.s32 $0x460;
	s16 =	simm.s32 $0x860  }
0x7: {  	s17 =	simm.s32 $0x1;
	s18 =	simm.s32 $0x2;
	s19 =	simm.s32 $0x3  }
0x8: {  	[smem:$0x7FF] =	sst s2;
	s6 =	sand.u32 $0x1, s3;
	s3 =	sadd.s32 $0x3000, s5  }
0x9: {  	s9 =	sshll.u32 s1, $0x6;
	s4 =	sadd.s32 $0x2000, s5;
	s10 =	sshll.u32 s6, $0x5  }
0xa: {  	_ =	strace $0x80000047;
	s6 =	ssub.s32 $0x2, s6;
	s9 =	sor.u32 s10, s9  }
0xb: {  	s11 =	sshrl.u32 s6, $0x1;
	s10 =	sshrl.u32 s9, $0x3;
	s9 =	sshll.u32 s9, $0x2  }
0xc: {  	s11 =	ssub.s32 s6, s11;
	s12 =	sadd.s32 s10, s5;
	s13 =	sadd.s32 s9, s5  }
0xd: {  	s7 =	sadd.s32 s7, s10;
	s8 =	sadd.s32 s8, s9;
	s10 =	smax.u32 s11, $0x1  }
0xe: {  	s11 =	simm.s32 $0x4;
	s5 =	sadd.s32 $0x1E00, s12;
	s6 =	sadd.s32 $0x1C00, s12  }
0xf: {  	s9 =	sadd.s32 $0x64C00, s13;
	s12 =	simm.s32 $0x20;
	s13 =	simm.s32 $0x40  }
.LBB2_1:
0x10: {  	[tilespmem:s2], [sflag:$0x4] =	stream.linear.gather [hbm4b:s5+s2], $0x20, $0x38;
	[tilespmem:$0xC60] =	vst v63  }
0x11: {  	_ =	swait.ge [sflag:s11], $0x20  }
0x12: {  	[sflag:s11] =	ssyncset.done $0x0  }
0x13: {  	[sflag:s11] =	ssyncadd.s32 $0xFFFFFFE0  }
0x14: {  	[tilespmem:s12], [sflag:$0x4] =	stream.linear.gather [hbm4b:s6+s2], $0x20, $0x38;
	[tilespmem:$0xC60] =	vst v63  }
0x15: {  	_ =	swait.ge [sflag:s11], $0x20  }
0x16: {  	[sflag:s11] =	ssyncset.done $0x0  }
0x17: {  	[sflag:s11] =	ssyncadd.s32 $0xFFFFFFE0  }
0x18: {  	[tilespmem:s13], [sflag:$0x4] =	stream.linear.gather [hbm4b:s7+s2], $0x20, $0x38;
	[tilespmem:$0xC60] =	vst v63  }
0x19: {  	_ =	swait.ge [sflag:s11], $0x20  }
0x1a: {  	[sflag:s11] =	ssyncset.done $0x0  }
0x1b: {  	[sflag:s11] =	ssyncadd.s32 $0xFFFFFFE0  }
0x1c: {  	[tilespmem:s14], [sflag:$0x1] =	stream.indirect.gather [hbm4b:s3+s12], $0x20, s2, s12, $0xb8;
	[tilespmem:$0xC60] =	vst v63  }
0x1d: {  	_ = 	snop  }
0x1e: {  	[tilespmem:s15], [sflag:$0x2] =	stream.indirect.gather [hbm4b:s4+s12], $0x20, s12, s12, $0xb8;
	[tilespmem:$0xC60] =	vst v63  }
0x1f: {  	_ = 	snop  }
0x20: {  	[tilespmem:s16], [sflag:$0x3] =	stream.indirect.gather [hbm4b:s3+s12], $0x20, s13, s12, $0xb8;
	[tilespmem:$0xC60] =	vst v63  }
0x21: {  	_ =	swait.ge [sflag:s17], $0x400  }
0x22: {  	[sflag:s17] =	ssyncset.done $0x0  }
0x23: {  	[sflag:s17] =	ssyncadd.s32 $0xFFFFFC00  }
0x24: {  	_ =	swait.ge [sflag:s18], $0x400  }
0x25: {  	[sflag:s18] =	ssyncset.done $0x0  }
0x26: {  	[sflag:s18] =	ssyncadd.s32 $0xFFFFFC00  }
0x27: {  	v0 =	vld [tilespmem:$0x60]  }
0x28: {  	v1 =	vld [tilespmem:$0x460]  }
0x29: {  	v2 =	vld [tilespmem:$0x70]  }
0x2a: {  	v3 =	vld [tilespmem:$0x470]  }
0x2b: {  	v4 =	vld [tilespmem:$0x80]  }
0x2c: {  	v5 =	vld [tilespmem:$0x480]  }
0x2d: {  	v6 =	vld [tilespmem:$0x90]  }
0x2e: {  	v7 =	vld [tilespmem:$0x490]  }
0x2f: {  	v8 =	vld [tilespmem:$0xA0]  }
0x30: {  	v9 =	vld [tilespmem:$0x4A0]  }
0x31: {  	v10 =	vld [tilespmem:$0xB0]  }
0x32: {  	v11 =	vld [tilespmem:$0x4B0]  }
0x33: {  	v12 =	vld [tilespmem:$0xC0]  }
0x34: {  	v13 =	vld [tilespmem:$0x4C0]  }
0x35: {  	v14 =	vld [tilespmem:$0xD0]  }
0x36: {  	v15 =	vld [tilespmem:$0x4D0]  }
0x37: {  	v16 =	vld [tilespmem:$0xE0]  }
0x38: {  	v17 =	vld [tilespmem:$0x4E0]  }
0x39: {  	v18 =	vld [tilespmem:$0xF0]  }
0x3a: {  	v19 =	vld [tilespmem:$0x4F0]  }
0x3b: {  	v20 =	vld [tilespmem:$0x100]  }
0x3c: {  	v21 =	vld [tilespmem:$0x500]  }
0x3d: {  	v22 =	vld [tilespmem:$0x110]  }
0x3e: {  	v23 =	vld [tilespmem:$0x510]  }
0x3f: {  	v24 =	vld [tilespmem:$0x120]  }
0x40: {  	v25 =	vld [tilespmem:$0x520]  }
0x41: {  	v26 =	vld [tilespmem:$0x130]  }
0x42: {  	v27 =	vld [tilespmem:$0x530]  }
0x43: {  	v28 =	vld [tilespmem:$0x140]  }
0x44: {  	v29 =	vld [tilespmem:$0x540]  }
0x45: {  	v30 =	vld [tilespmem:$0x150]  }
0x46: {  	v31 =	vld [tilespmem:$0x550]  }
0x47: {  	v32 =	vld [tilespmem:$0x160]  }
0x48: {  	v33 =	vld [tilespmem:$0x560]  }
0x49: {  	v34 =	vld [tilespmem:$0x170]  }
0x4a: {  	v35 =	vld [tilespmem:$0x570]  }
0x4b: {  	v36 =	vld [tilespmem:$0x180]  }
0x4c: {  	v37 =	vld [tilespmem:$0x580]  }
0x4d: {  	v38 =	vld [tilespmem:$0x190]  }
0x4e: {  	v39 =	vld [tilespmem:$0x590]  }
0x4f: {  	v40 =	vld [tilespmem:$0x1A0]  }
0x50: {  	v41 =	vld [tilespmem:$0x5A0]  }
0x51: {  	v42 =	vld [tilespmem:$0x1B0]  }
0x52: {  	v43 =	vld [tilespmem:$0x5B0]  }
0x53: {  	v44 =	vld [tilespmem:$0x1C0]  }
0x54: {  	v45 =	vld [tilespmem:$0x5C0]  }
0x55: {  	v46 =	vld [tilespmem:$0x1D0]  }
0x56: {  	v47 =	vld [tilespmem:$0x5D0]  }
0x57: {  	v48 =	vld [tilespmem:$0x1E0]  }
0x58: {  	v49 =	vld [tilespmem:$0x5E0]  }
0x59: {  	v50 =	vld [tilespmem:$0x1F0]  }
0x5a: {  	v51 =	vld [tilespmem:$0x5F0]  }
0x5b: {  	v52 =	vld [tilespmem:$0x200]  }
0x5c: {  	v53 =	vld [tilespmem:$0x600]  }
0x5d: {  	v54 =	vld [tilespmem:$0x210]  }
0x5e: {  	v55 =	vld [tilespmem:$0x610]  }
0x5f: {  	v56 =	vld [tilespmem:$0x220]  }
0x60: {  	v57 =	vld [tilespmem:$0x620]  }
0x61: {  	v58 =	vld [tilespmem:$0x230]  }
0x62: {  	v62 =	vld [tilespmem:$0x250]  }
0x63: {  	v59 =	vld [tilespmem:$0x630]  }
0x64: {  	v60 =	vld [tilespmem:$0x240]  }
0x65: {  	v61 =	vld [tilespmem:$0x640]  }
0x66: {  	v63 =	vld [tilespmem:$0x650]  }
0x67: {  	[tilespmem:$0x1FFA0] =	vst v62;
	v62 =	vld [tilespmem:$0x260]  }
0x68: {  	v0 =	vmul.f32 v1, v0;
	v1 =	vld [tilespmem:$0x680]  }
0x69: {  	v2 =	vmul.f32 v3, v2;
	v3 =	vld [tilespmem:$0x290]  }
0x6a: {  	v9 =	vmul.f32 v9, v8;
	v8 =	vld [tilespmem:$0x6B0]  }
0x6b: {  	v13 =	vmul.f32 v13, v12;
	v12 =	vld [tilespmem:$0x6D0]  }
0x6c: {  	v15 =	vmul.f32 v15, v14;
	v14 =	vld [tilespmem:$0x6E0]  }
0x6d: {  	v17 =	vmul.f32 v17, v16;
	v16 =	vld [tilespmem:$0x6F0]  }
0x6e: {  	v19 =	vmul.f32 v19, v18;
	v18 =	vld [tilespmem:$0x700]  }
0x6f: {  	v23 =	vmul.f32 v23, v22;
	v22 =	vld [tilespmem:$0x720];
	[tilespmem:$0x60] =	vst v0  }
0x70: {  	v25 =	vmul.f32 v25, v24;
	v24 =	vld [tilespmem:$0x730];
	[tilespmem:$0x70] =	vst v2  }
0x71: {  	v21 =	vmul.f32 v21, v20;
	v27 =	vmul.f32 v27, v26;
	v26 =	vld [tilespmem:$0x740];
	[tilespmem:$0xA0] =	vst v9  }
0x72: {  	v31 =	vmul.f32 v31, v30;
	v30 =	vmul.f32 v45, v44;
	v45 =	vld [tilespmem:$0x790];
	[tilespmem:$0xC0] =	vst v13  }
0x73: {  	v33 =	vmul.f32 v33, v32;
	v32 =	vmul.f32 v49, v48;
	v49 =	vld [tilespmem:$0x7A0];
	[tilespmem:$0xD0] =	vst v15  }
0x74: {  	v35 =	vmul.f32 v35, v34;
	v34 =	vmul.f32 v53, v52;
	v53 =	vld [tilespmem:$0x7B0];
	[tilespmem:$0xE0] =	vst v17  }
0x75: {  	v37 =	vmul.f32 v37, v36;
	v36 =	vmul.f32 v57, v56;
	v57 =	vld [tilespmem:$0x7C0];
	[tilespmem:$0xF0] =	vst v19  }
0x76: {  	v0 =	vmul.f32 v5, v4;
	v4 =	vld [tilespmem:$0x690];
	[tilespmem:$0x100] =	vst v21  }
0x77: {  	v5 =	vld [tilespmem:$0x2A0];
	[tilespmem:$0x110] =	vst v23  }
0x78: {  	v29 =	vmul.f32 v29, v28;
	v9 =	vld [tilespmem:$0x2C0];
	[tilespmem:$0x120] =	vst v25  }
0x79: {  	v13 =	vld [tilespmem:$0x2E0];
	[tilespmem:$0x130] =	vst v27  }
0x7a: {  	v15 =	vld [tilespmem:$0x2F0];
	[tilespmem:$0x140] =	vst v29  }
0x7b: {  	v17 =	vld [tilespmem:$0x300];
	[tilespmem:$0x150] =	vst v31  }
0x7c: {  	v19 =	vld [tilespmem:$0x310];
	[tilespmem:$0x160] =	vst v33  }
0x7d: {  	v28 =	vmul.f32 v41, v40;
	[tilespmem:$0x170] =	vst v35;
	v21 =	vld [tilespmem:$0x320]  }
0x7e: {  	[tilespmem:$0x180] =	vst v37;
	v23 =	vld [tilespmem:$0x330]  }
0x7f: {  	[tilespmem:$0x1A0] =	vst v28;
	v25 =	vld [tilespmem:$0x340]  }
0x80: {  	[tilespmem:$0x1C0] =	vst v30;
	v28 =	vld [tilespmem:$0x750]  }
0x81: {  	[tilespmem:$0x1E0] =	vst v32;
	v30 =	vld [tilespmem:$0x760]  }
0x82: {  	[tilespmem:$0x200] =	vst v34;
	v32 =	vld [tilespmem:$0x770]  }
0x83: {  	v27 =	vmul.f32 v39, v38;
	[tilespmem:$0x220] =	vst v36;
	v39 =	vld [tilespmem:$0x1FFA0]  }
0x84: {  	v34 =	vld [tilespmem:$0x780];
	[tilespmem:$0x80] =	vst v0  }
0x85: {  	v29 =	vmul.f32 v43, v42;
	v31 =	vmul.f32 v47, v46;
	v47 =	vld [tilespmem:$0x3A0];
	[tilespmem:$0x190] =	vst v27  }
0x86: {  	[tilespmem:$0x1FFB0] =	vst v62;
	v62 =	vld [tilespmem:$0x660]  }
0x87: {  	v33 =	vmul.f32 v51, v50;
	v51 =	vld [tilespmem:$0x3B0];
	[tilespmem:$0x1B0] =	vst v29  }
0x88: {  	v35 =	vmul.f32 v55, v54;
	v55 =	vld [tilespmem:$0x3C0];
	[tilespmem:$0x1D0] =	vst v31  }
0x89: {  	v37 =	vmul.f32 v59, v58;
	v59 =	vld [tilespmem:$0x3D0];
	[tilespmem:$0x1F0] =	vst v33  }
0x8a: {  	v38 =	vmul.f32 v61, v60;
	v61 =	vld [tilespmem:$0x7D0];
	[tilespmem:$0x210] =	vst v35  }
0x8b: {  	[tilespmem:$0x1FFC0] =	vst v62;
	v62 =	vld [tilespmem:$0x270]  }
0x8c: {  	v27 =	vld [tilespmem:$0x350];
	[tilespmem:$0x230] =	vst v37;
	v2 =	vmul.f32 v63, v39  }
0x8d: {  	v29 =	vld [tilespmem:$0x360];
	[tilespmem:$0x240] =	vst v38;
	v46 =	vmul.f32 v4, v3  }
0x8e: {  	v31 =	vld [tilespmem:$0x370];
	[tilespmem:$0x250] =	vst v2  }
0x8f: {  	v33 =	vld [tilespmem:$0x380];
	v56 =	vmul.f32 v14, v13;
	[tilespmem:$0x290] =	vst v46  }
0x90: {  	v58 =	vmul.f32 v16, v15;
	[tilespmem:$0x1FFD0] =	vst v62;
	v62 =	vld [tilespmem:$0x670]  }
0x91: {  	v35 =	vld [tilespmem:$0x390];
	v60 =	vmul.f32 v18, v17;
	[tilespmem:$0x2E0] =	vst v56  }
0x92: {  	v37 =	vld [tilespmem:$0x400];
	v21 =	vmul.f32 v22, v21;
	[tilespmem:$0x2F0] =	vst v58  }
0x93: {  	v40 =	vld [tilespmem:$0x1FFB0];
	[tilespmem:$0x300] =	vst v60  }
0x94: {  	v23 =	vmul.f32 v24, v23;
	[tilespmem:$0x320] =	vst v21;
	v41 =	vld [tilespmem:$0x1FFC0]  }
0x95: {  	v25 =	vmul.f32 v26, v25;
	[tilespmem:$0x1FFE0] =	vst v62;
	v62 =	vld [tilespmem:$0x280]  }
0x96: {  	[tilespmem:$0x330] =	vst v23;
	v36 =	vmul.f32 v28, v27;
	v42 =	vld [tilespmem:$0x1FFD0]  }
0x97: {  	[tilespmem:$0x340] =	vst v25;
	v38 =	vmul.f32 v30, v29;
	v43 =	vld [tilespmem:$0x1FFE0]  }
0x98: {  	v63 =	vld [tilespmem:$0x3E0];
	[tilespmem:$0x350] =	vst v36  }
0x99: {  	v22 =	vld [tilespmem:$0x7E0];
	[tilespmem:$0x360] =	vst v38;
	v0 =	vmul.f32 v41, v40  }
0x9a: {  	v40 =	vmul.f32 v32, v31;
	[tilespmem:$0x1FFF0] =	vst v62;
	v62 =	vmul.f32 v7, v6;
	v6 =	vld [tilespmem:$0x6A0]  }
0x9b: {  	[tilespmem:$0x260] =	vst v0;
	v7 =	vld [tilespmem:$0x2B0]  }
0x9c: {  	[tilespmem:$0x370] =	vst v40;
	v2 =	vmul.f32 v43, v42;
	v44 =	vld [tilespmem:$0x1FFF0]  }
0x9d: {  	v24 =	vld [tilespmem:$0x3F0];
	v42 =	vmul.f32 v34, v33;
	[tilespmem:$0x90] =	vst v62  }
0x9e: {  	v26 =	vld [tilespmem:$0x7F0];
	v62 =	vmul.f32 v11, v10;
	[tilespmem:$0x270] =	vst v2  }
0x9f: {  	v39 =	vld [tilespmem:$0x800];
	[tilespmem:$0x380] =	vst v42;
	v48 =	vmul.f32 v6, v5  }
0xa0: {  	v46 =	vld [tilespmem:$0x820];
	[tilespmem:$0xB0] =	vst v62;
	v50 =	vmul.f32 v8, v7  }
0xa1: {  	v56 =	vld [tilespmem:$0x450];
	v0 =	vmul.f32 v1, v44;
	[tilespmem:$0x2A0] =	vst v48  }
0xa2: {  	v58 =	vld [tilespmem:$0x850];
	v1 =	vmul.f32 v45, v35;
	[tilespmem:$0x2B0] =	vst v50  }
0xa3: {  	v41 =	vld [tilespmem:$0x410];
	v45 =	vmul.f32 v49, v47;
	[tilespmem:$0x280] =	vst v0  }
0xa4: {  	v10 =	vld [tilespmem:$0x6C0];
	v47 =	vmul.f32 v53, v51;
	[tilespmem:$0x390] =	vst v1  }
0xa5: {  	v11 =	vld [tilespmem:$0x2D0];
	v49 =	vmul.f32 v57, v55;
	[tilespmem:$0x3A0] =	vst v45  }
0xa6: {  	v43 =	vld [tilespmem:$0x810];
	v51 =	vmul.f32 v61, v59;
	[tilespmem:$0x3B0] =	vst v47  }
0xa7: {  	v62 =	vld [tilespmem:$0x710];
	v53 =	vmul.f32 v22, v63;
	[tilespmem:$0x3C0] =	vst v49  }
0xa8: {  	v44 =	vld [tilespmem:$0x420];
	v55 =	vmul.f32 v26, v24;
	[tilespmem:$0x3D0] =	vst v51  }
0xa9: {  	v52 =	vmul.f32 v10, v9;
	v48 =	vld [tilespmem:$0x430];
	[tilespmem:$0x3E0] =	vst v53  }
0xaa: {  	v54 =	vmul.f32 v12, v11;
	v50 =	vld [tilespmem:$0x830];
	[tilespmem:$0x3F0] =	vst v55  }
0xab: {  	v57 =	vmul.f32 v39, v37;
	[tilespmem:$0x2C0] =	vst v52;
	v52 =	vld [tilespmem:$0x440]  }
0xac: {  	v59 =	vmul.f32 v43, v41;
	[tilespmem:$0x2D0] =	vst v54;
	v54 =	vld [tilespmem:$0x840]  }
0xad: {  	v63 =	vmul.f32 v58, v56;
	[tilespmem:$0x400] =	vst v57  }
0xae: {  	[tilespmem:$0x410] =	vst v59;
	v62 =	vmul.f32 v62, v19  }
0xaf: {  	[tilespmem:$0x450] =	vst v63;
	v60 =	vmul.f32 v46, v44  }
0xb0: {  	[tilespmem:$0x310] =	vst v62;
	v61 =	vmul.f32 v50, v48  }
0xb1: {  	[tilespmem:$0x420] =	vst v60;
	v62 =	vmul.f32 v54, v52  }
0xb2: {  	[tilespmem:$0x430] =	vst v61  }
0xb3: {  	[tilespmem:$0x440] =	vst v62  }
0xb4: {  	[hbm4b:s8+s2] =	stream.linear.scatter [tilespmem:s14], [sflag:$0x4], $0x400, $0x38;
	[tilespmem:$0xC60] =	vst v63  }
0xb5: {  	_ =	swait.ge [sflag:s11], $0x400  }
0xb6: {  	[sflag:s11] =	ssyncset.done $0x0  }
0xb7: {  	[sflag:s11] =	ssyncadd.s32 $0xFFFFFC00  }
0xb8: {  	_ =	swait.ge [sflag:s19], $0x400  }
0xb9: {  	p0 =	sne.s32 s10, $0x1;
	[sflag:s19] =	ssyncset.done $0x0  }
.Ltmp0:
0xba: {  	[sflag:s19] =	ssyncadd.s32 $0xFFFFFC00;
	(pc) =	sbr.rel @p0 .LBB2_1-.Ltmp0, $4  }
0xbb: {  	[hbm4b:s9+s2] =	stream.linear.scatter [tilespmem:s16], [sflag:$0x4], $0x400, $0x38;
	[tilespmem:$0xC60] =	vst v63  }
0xbc: {  	_ =	swait.ge [sflag:s11], $0x400  }
0xbd: {  	[sflag:s11] =	ssyncset.done $0x0  }
0xbe: {  	s10 =	sadd.s32 $0xFFFFFFFF, s10;
	[sflag:s11] =	ssyncadd.s32 $0xFFFFFC00  }
0xbf: {  	_ =	sfence.sel $0x180000  }
0xc0: {  	[bflag:$0x0] =	sbarrier.arrive $0xFFFF  }
0xc1: {  	p0 =	sne.s32 s1, $0x0;
	_ =	strace $0x90000047  }
0xc2: {  	s0 =	sadd.s32 @!p0 $0x100000, s0;
	[bflag:$0x2] =	sbarrier.arrive $0xFFFF  }
0xc3: {  	[sflag:s0] =	ssyncadd.tile.s32 @!p0 $0x1;
	_ =	shalt  }
.Lfunc_end2:
_tile_overlayer_lowered:
.L_overlay_start_2:
0xc4: {  	(tag) =	ssettag $0x2  }
0xc5: {  	s0 =	rddreg [dreg:$0x0];
	s2 =	stileid.u32  }
0xc6: {  	s1 =	rddreg [dreg:$0x1];
	p0 =	sne.s32 s2, $0x0  }
0xc7: {  	s3 =	rddreg [dreg:$0x2];
	[bflag:$0x3] =	sbarrier.arrive $0xFFFF;
	s2 =	simm.s32 @!p0 $0x1C04  }
0xc8: {  	[timem:s3], [sflag:s2] =	dma.local @!p0 [hbm:s0], s1  }
0xc9: {  	s0 =	simm.s32 @!p0 $0x4  }
0xca: {  	_ =	swait.ge @!p0 [sflag:s0], s1  }
0xcb: {  	s1 =	ssub.s32 @!p0 $0x0, s1;
	[sflag:s0] =	ssyncset.done @!p0 $0x0  }
0xcc: {  	[sflag:s0] =	ssyncadd.s32 @!p0 s1  }
0xcd: {  	[bflag:$0x3] =	sbarrier.arrive $0xFFFF  }
0xce: {  	_ =	shalt  }

</sc_bundles>
